<compile_context>
chip_gen: v7x
topology: tpu7x:2x2x1
jax: 0.10.2.dev20260603
libtpu: 0.0.44.dev20260713+nightly
codegen_flags: <defaults>
</compile_context>

<pallas_src>
import functools

import jax
import jax.numpy as jnp
from jax import lax
from jax.experimental import pallas as pl
from jax.experimental.pallas import tpu as pltpu
from jax.experimental.pallas import tpu_sc as plsc

N = 10000
E = 160000
D = 256
DH = 128
NC, NS, L = 2, 16, 16

CH = 80
NCHUNK = 126
EPAD = NS * NCHUNK * CH
PSHIFT = 15
PMASK = (1 << PSHIFT) - 1
NPAD = 10240
ROWS_PER_TILE = NPAD // NS
DRAIN = CH
DEG_PER_TILE = NPAD // NS

def _deg_body(rows_hbm, degp_hbm, rowv, onesv, dbuf, deg_sh):
    c = lax.axis_index("c")
    s = lax.axis_index("s")
    for i in range(DEG_PER_TILE // L):
        dbuf[pl.ds(i * L, L)] = jnp.zeros((L,), jnp.float32)
    for i in range(CH // L):
        onesv[pl.ds(i * L, L)] = jnp.ones((L,), jnp.float32)
    pltpu.sync_copy(dbuf, deg_sh.at[pl.ds(s * DEG_PER_TILE, DEG_PER_TILE)])
    pltpu.sync_copy(rows_hbm.at[s], rowv)
    plsc.subcore_barrier()

    lo = (NCHUNK // 2) * c
    hi = lo + NCHUNK // 2

    def body(j, carry):
        pltpu.sync_copy(onesv, deg_sh.at[rowv.at[j]], add=True)
        return carry

    lax.fori_loop(lo, hi, body, 0)
    plsc.subcore_barrier()
    pltpu.sync_copy(deg_sh.at[pl.ds(s * DEG_PER_TILE, DEG_PER_TILE)], dbuf)
    pltpu.sync_copy(dbuf, degp_hbm.at[c, pl.ds(s * DEG_PER_TILE, DEG_PER_TILE)])


def _mm_body(x_ref, w_ref, degp_ref, xws_ref, dis_ref):
    deg = degp_ref[0] + degp_ref[1]
    dis = jnp.where(deg > 0.0, lax.rsqrt(deg), 0.0)
    xw = jnp.dot(x_ref[...], w_ref[...], preferred_element_type=jnp.float32)
    xws = xw * dis
    xws_ref[0, :, :] = xws[:, :DH]
    xws_ref[1, :, :] = xws[:, DH:]
    dis_ref[...] = dis


_MM_B = 2000

_mm_call = pl.pallas_call(
    _mm_body,
    grid=(N // _MM_B,),
    in_specs=[
        pl.BlockSpec((_MM_B, D), lambda i: (i, 0)),
        pl.BlockSpec((D, D), lambda i: (0, 0)),
        pl.BlockSpec((NC, _MM_B, 1), lambda i: (0, i, 0)),
    ],
    out_specs=[
        pl.BlockSpec((NC, _MM_B, DH), lambda i: (0, i, 0)),
        pl.BlockSpec((_MM_B, 1), lambda i: (i, 0)),
    ],
    out_shape=[
        jax.ShapeDtypeStruct((NC, N, DH), jnp.float32),
        jax.ShapeDtypeStruct((N, 1), jnp.float32),
    ],
)


def _agg_body(xws_hbm, packed_hbm, acc_hbm,
              pidv, ridx0, cidx0, ridx1, cidx1, gbuf0, gbuf1, acc_sh,
              gsem0, gsem1, ssem0, ssem1):
    c = lax.axis_index("c")
    s = lax.axis_index("s")
    ridx = (ridx0, ridx1)
    cidx = (cidx0, cidx1)
    gbuf = (gbuf0, gbuf1)
    gsem = (gsem0, gsem1)
    ssem = (ssem0, ssem1)

    pltpu.async_copy(packed_hbm.at[c, s], pidv, gsem0)

    def zrow(v, carry):
        for gg in range(DH // L):
            gbuf0[v, pl.ds(gg * L, L)] = jnp.zeros((L,), jnp.float32)
        return carry

    lax.fori_loop(0, DRAIN, zrow, 0)
    for t in range(ROWS_PER_TILE // DRAIN):
        pltpu.async_copy(gbuf0, acc_sh.at[pl.ds(s * ROWS_PER_TILE + t * DRAIN,
                                                DRAIN)], ssem0)
    for t in range(ROWS_PER_TILE // DRAIN):
        pltpu.make_async_copy(gbuf0,
                              acc_sh.at[pl.ds(s * ROWS_PER_TILE + t * DRAIN,
                                              DRAIN)], ssem0).wait()
    pltpu.make_async_copy(packed_hbm.at[c, s], pidv, gsem0).wait()
    plsc.subcore_barrier()

    def unpack(j, p):
        for i in range(CH // L):
            v = pidv[j, pl.ds(i * L, L)]
            ridx[p][0, pl.ds(i * L, L)] = lax.shift_right_logical(v, PSHIFT)
            cidx[p][0, pl.ds(i * L, L)] = v & PMASK

    def start_gather(p):
        pltpu.async_copy(xws_hbm.at[cidx[p].at[0]], gbuf[p], gsem[p])

    def wait_gather(p):
        pltpu.make_async_copy(xws_hbm.at[cidx[p].at[0]], gbuf[p],
                              gsem[p]).wait()

    def start_scatter(p):
        pltpu.async_copy(gbuf[p], acc_sh.at[ridx[p].at[0]], ssem[p],
                         add=True)

    def wait_scatter(p):
        pltpu.make_async_copy(xws_hbm.at[pl.ds(0, CH)], gbuf[p],
                              ssem[p]).wait()

    unpack(0, 0)
    start_gather(0)
    unpack(1, 1)
    start_gather(1)

    @pl.loop(0, NCHUNK - 2, step=2)
    def _chunks(j):
        wait_gather(0)
        start_scatter(0)
        wait_scatter(0)
        unpack(j + 2, 0)
        start_gather(0)
        wait_gather(1)
        start_scatter(1)
        wait_scatter(1)
        unpack(j + 3, 1)
        start_gather(1)

    wait_gather(0)
    start_scatter(0)
    wait_scatter(0)
    wait_gather(1)
    start_scatter(1)
    wait_scatter(1)
    plsc.subcore_barrier()

    for t in range(ROWS_PER_TILE // DRAIN):
        r0 = s * ROWS_PER_TILE + t * DRAIN
        pltpu.async_copy(acc_sh.at[pl.ds(r0, DRAIN)],
                         acc_hbm.at[c, pl.ds(r0, DRAIN)], gsem0)
    for t in range(ROWS_PER_TILE // DRAIN):
        r0 = s * ROWS_PER_TILE + t * DRAIN
        pltpu.make_async_copy(acc_sh.at[pl.ds(r0, DRAIN)],
                              acc_hbm.at[c, pl.ds(r0, DRAIN)], gsem0).wait()


def _post_body(acc_ref, dis_ref, out_ref):
    dis = dis_ref[...]
    a0 = acc_ref[0].astype(jnp.float32)
    a1 = acc_ref[1].astype(jnp.float32)
    out_ref[...] = jnp.concatenate([a0 * dis, a1 * dis], axis=1)


_post_call = pl.pallas_call(
    _post_body,
    grid=(N // _MM_B,),
    in_specs=[
        pl.BlockSpec((NC, _MM_B, DH), lambda i: (0, i, 0)),
        pl.BlockSpec((_MM_B, 1), lambda i: (i, 0)),
    ],
    out_specs=pl.BlockSpec((_MM_B, D), lambda i: (i, 0)),
    out_shape=jax.ShapeDtypeStruct((N, D), jnp.float32),
)


@functools.cache
def _sc_kernels():
    mesh = plsc.VectorSubcoreMesh(
        core_axis_name="c", subcore_axis_name="s",
        num_cores=NC, num_subcores=NS)
    deg_kernel = pl.kernel(
        _deg_body,
        mesh=mesh,
        out_type=jax.ShapeDtypeStruct((NC, NPAD), jnp.float32),
        scratch_types=[
            pltpu.VMEM((NCHUNK, CH), jnp.int32),
            pltpu.VMEM((CH,), jnp.float32),
            pltpu.VMEM((DEG_PER_TILE,), jnp.float32),
            pltpu.VMEM_SHARED((NPAD,), jnp.float32),
        ],
    )
    agg_kernel = pl.kernel(
        _agg_body,
        mesh=mesh,
        out_type=jax.ShapeDtypeStruct((NC, NPAD, DH), jnp.float32),
        scratch_types=[
            pltpu.VMEM((NCHUNK, CH), jnp.int32),
            pltpu.VMEM((8, CH), jnp.int32),
            pltpu.VMEM((8, CH), jnp.int32),
            pltpu.VMEM((8, CH), jnp.int32),
            pltpu.VMEM((8, CH), jnp.int32),
            pltpu.VMEM((CH, DH), jnp.float32),
            pltpu.VMEM((CH, DH), jnp.float32),
            pltpu.VMEM_SHARED((NPAD, DH), jnp.float32),
            pltpu.SemaphoreType.DMA,
            pltpu.SemaphoreType.DMA,
            pltpu.SemaphoreType.DMA,
            pltpu.SemaphoreType.DMA,
        ],
    )
    return deg_kernel, agg_kernel


def kernel(x, edge_index, W):
    ei = edge_index.astype(jnp.int32)
    row = jnp.concatenate([ei[0], jnp.full((EPAD - E,), N, jnp.int32)])
    col = jnp.concatenate([ei[1], jnp.zeros((EPAD - E,), jnp.int32)])
    rows3 = row.reshape(NS, NCHUNK, CH)
    packed = ((row << PSHIFT) | jnp.stack([col, col + N])
              ).reshape(NC, NS, NCHUNK, CH)

    deg_kernel, agg_kernel = _sc_kernels()
    degp = deg_kernel(rows3)
    degp3 = degp[:, :N].reshape(NC, N, 1)
    xws, dis = _mm_call(x, W, degp3)
    acc = agg_kernel(xws.reshape(NC * N, DH), packed)
    return _post_call(acc, dis)

# --- scband reference (transcript-rebuilt; emitter-appended) ---
"""Pipeline reference for scband-gcnlayer-12249246728550 (READ-ONLY COPY).

The authoritative reference and input builder live on the scoring server;
editing this copy changes nothing except your own understanding.
"""

import jax, jax.numpy as jnp
import numpy as np

N_NODES = 10000
N_EDGES = 160000
D_IN = 256
D_OUT = 256


def setup_inputs(seed: int = 0) -> dict:
    key = jax.random.key(seed)
    k1, k2, k3 = jax.random.split(key, 3)
    x = jax.random.normal(k1, (N_NODES, D_IN), dtype=jnp.float32)
    edge_index = jax.random.randint(k2, (2, N_EDGES), 0, N_NODES, dtype=jnp.int64)
    W = jax.random.normal(k3, (D_IN, D_OUT), dtype=jnp.float32)
    return {"x": x, "edge_index": edge_index, "W": W}


def reference(x, edge_index, W):
    row = edge_index[0]
    col = edge_index[1]
    deg = jnp.bincount(row, length=x.shape[0]).astype(jnp.float32)
    deg_inv_sqrt = jnp.power(deg, -0.5)
    deg_inv_sqrt = jnp.where(jnp.isinf(deg_inv_sqrt), 0.0, deg_inv_sqrt)
    norm = deg_inv_sqrt[row] * deg_inv_sqrt[col]
    xw = jnp.matmul(x, W)
    msgs = xw[col] * norm[:, None]
    out = jnp.zeros_like(xw).at[row].add(msgs)
    return out

if __name__ == "__main__":
    import jax
    _d = setup_inputs()
    print(jax.jit(kernel)(*tuple(_d.values())))

</pallas_src>

<mosaic_0001>
#map = affine_map<(d0, d1) -> (0, 0, 0)>
#map1 = affine_map<(d0, d1) -> (0, 0)>
module attributes {stable_mosaic.version = 14 : i64} {
  func.func @_deg_body(%arg0: i32, %arg1: i32, %arg2: memref<16x126x80xi32, #tpu.memory_space<hbm>>, %arg3: memref<2x10240xf32, #tpu.memory_space<hbm>>, %arg4: memref<126x80xi32, #tpu.memory_space<vmem>>, %arg5: memref<80xf32, #tpu.memory_space<vmem>>, %arg6: memref<640xf32, #tpu.memory_space<vmem>>, %arg7: memref<10240xf32, #tpu.memory_space<vmem_shared>>) attributes {dimension_semantics = [#tpu.dimension_semantics<core_parallel>, #tpu.dimension_semantics<subcore_parallel>], iteration_bounds = array<i64: 2, 16>, scalar_prefetch = 0 : i64, scratch_operands = 4 : i64, tpu.core_type = #tpu.core_type<sc_vector_subcore>, window_params = [{transform_indices = #map}, {transform_indices = #map1}]} {
    %broadcast_in_dim3A = arith.constant 0.000000e+00 : f32
    %broadcast_in_dim3A_0 = vector.broadcast %broadcast_in_dim3A : f32 to vector<16xf32>
    %swap3A = arith.constant 0 : index
    %swap3A_1 = tpu.vector_load %arg6[%swap3A] {strides = array<i32>} : memref<640xf32, #tpu.memory_space<vmem>>, vector<16xf32>,
    %swap3A_2 = vector.shape_cast %swap3A_1 : vector<16xf32> to vector<16xf32>
    %swap3A_3 = vector.shape_cast %broadcast_in_dim3A_0 : vector<16xf32> to vector<16xf32>
    tpu.vector_store %arg6[%swap3A], %swap3A_3 {strides = array<i32>} : memref<640xf32, #tpu.memory_space<vmem>>, vector<16xf32>,
    %broadcast_in_dim3A_4 = arith.constant 0.000000e+00 : f32
    %broadcast_in_dim3A_5 = vector.broadcast %broadcast_in_dim3A_4 : f32 to vector<16xf32>
    %swap3A_6 = arith.constant 16 : index
    %swap3A_7 = tpu.vector_load %arg6[%swap3A_6] {strides = array<i32>} : memref<640xf32, #tpu.memory_space<vmem>>, vector<16xf32>,
    %swap3A_8 = vector.shape_cast %swap3A_7 : vector<16xf32> to vector<16xf32>
    %swap3A_9 = vector.shape_cast %broadcast_in_dim3A_5 : vector<16xf32> to vector<16xf32>
    tpu.vector_store %arg6[%swap3A_6], %swap3A_9 {strides = array<i32>} : memref<640xf32, #tpu.memory_space<vmem>>, vector<16xf32>,
    %broadcast_in_dim3A_10 = arith.constant 0.000000e+00 : f32
    %broadcast_in_dim3A_11 = vector.broadcast %broadcast_in_dim3A_10 : f32 to vector<16xf32>
    %swap3A_12 = arith.constant 32 : index
    %swap3A_13 = tpu.vector_load %arg6[%swap3A_12] {strides = array<i32>} : memref<640xf32, #tpu.memory_space<vmem>>, vector<16xf32>,
    %swap3A_14 = vector.shape_cast %swap3A_13 : vector<16xf32> to vector<16xf32>
    %swap3A_15 = vector.shape_cast %broadcast_in_dim3A_11 : vector<16xf32> to vector<16xf32>
    tpu.vector_store %arg6[%swap3A_12], %swap3A_15 {strides = array<i32>} : memref<640xf32, #tpu.memory_space<vmem>>, vector<16xf32>,
    %broadcast_in_dim3A_16 = arith.constant 0.000000e+00 : f32
    %broadcast_in_dim3A_17 = vector.broadcast %broadcast_in_dim3A_16 : f32 to vector<16xf32>
    %swap3A_18 = arith.constant 48 : index
    %swap3A_19 = tpu.vector_load %arg6[%swap3A_18] {strides = array<i32>} : memref<640xf32, #tpu.memory_space<vmem>>, vector<16xf32>,
    %swap3A_20 = vector.shape_cast %swap3A_19 : vector<16xf32> to vector<16xf32>
    %swap3A_21 = vector.shape_cast %broadcast_in_dim3A_17 : vector<16xf32> to vector<16xf32>
    tpu.vector_store %arg6[%swap3A_18], %swap3A_21 {strides = array<i32>} : memref<640xf32, #tpu.memory_space<vmem>>, vector<16xf32>,
    %broadcast_in_dim3A_22 = arith.constant 0.000000e+00 : f32
    %broadcast_in_dim3A_23 = vector.broadcast %broadcast_in_dim3A_22 : f32 to vector<16xf32>
    %swap3A_24 = arith.constant 64 : index
    %swap3A_25 = tpu.vector_load %arg6[%swap3A_24] {strides = array<i32>} : memref<640xf32, #tpu.memory_space<vmem>>, vector<16xf32>,
    %swap3A_26 = vector.shape_cast %swap3A_25 : vector<16xf32> to vector<16xf32>
    %swap3A_27 = vector.shape_cast %broadcast_in_dim3A_23 : vector<16xf32> to vector<16xf32>
    tpu.vector_store %arg6[%swap3A_24], %swap3A_27 {strides = array<i32>} : memref<640xf32, #tpu.memory_space<vmem>>, vector<16xf32>,
    %broadcast_in_dim3A_28 = arith.constant 0.000000e+00 : f32
    %broadcast_in_dim3A_29 = vector.broadcast %broadcast_in_dim3A_28 : f32 to vector<16xf32>
    %swap3A_30 = arith.constant 80 : index
    %swap3A_31 = tpu.vector_load %arg6[%swap3A_30] {strides = array<i32>} : memref<640xf32, #tpu.memory_space<vmem>>, vector<16xf32>,
    %swap3A_32 = vector.shape_cast %swap3A_31 : vector<16xf32> to vector<16xf32>
    %swap3A_33 = vector.shape_cast %broadcast_in_dim3A_29 : vector<16xf32> to vector<16xf32>
    tpu.vector_store %arg6[%swap3A_30], %swap3A_33 {strides = array<i32>} : memref<640xf32, #tpu.memory_space<vmem>>, vector<16xf32>,
    %broadcast_in_dim3A_34 = arith.constant 0.000000e+00 : f32
    %broadcast_in_dim3A_35 = vector.broadcast %broadcast_in_dim3A_34 : f32 to vector<16xf32>
    %swap3A_36 = arith.constant 96 : index
    %swap3A_37 = tpu.vector_load %arg6[%swap3A_36] {strides = array<i32>} : memref<640xf32, #tpu.memory_space<vmem>>, vector<16xf32>,
    %swap3A_38 = vector.shape_cast %swap3A_37 : vector<16xf32> to vector<16xf32>
    %swap3A_39 = vector.shape_cast %broadcast_in_dim3A_35 : vector<16xf32> to vector<16xf32>
    tpu.vector_store %arg6[%swap3A_36], %swap3A_39 {strides = array<i32>} : memref<640xf32, #tpu.memory_space<vmem>>, vector<16xf32>,
    %broadcast_in_dim3A_40 = arith.constant 0.000000e+00 : f32
    %broadcast_in_dim3A_41 = vector.broadcast %broadcast_in_dim3A_40 : f32 to vector<16xf32>
    %swap3A_42 = arith.constant 112 : index
    %swap3A_43 = tpu.vector_load %arg6[%swap3A_42] {strides = array<i32>} : memref<640xf32, #tpu.memory_space<vmem>>, vector<16xf32>,
    %swap3A_44 = vector.shape_cast %swap3A_43 : vector<16xf32> to vector<16xf32>
    %swap3A_45 = vector.shape_cast %broadcast_in_dim3A_41 : vector<16xf32> to vector<16xf32>
    tpu.vector_store %arg6[%swap3A_42], %swap3A_45 {strides = array<i32>} : memref<640xf32, #tpu.memory_space<vmem>>, vector<16xf32>,
    %broadcast_in_dim3A_46 = arith.constant 0.000000e+00 : f32
    %broadcast_in_dim3A_47 = vector.broadcast %broadcast_in_dim3A_46 : f32 to vector<16xf32>
    %swap3A_48 = arith.constant 128 : index
    %swap3A_49 = tpu.vector_load %arg6[%swap3A_48] {strides = array<i32>} : memref<640xf32, #tpu.memory_space<vmem>>, vector<16xf32>,
    %swap3A_50 = vector.shape_cast %swap3A_49 : vector<16xf32> to vector<16xf32>
    %swap3A_51 = vector.shape_cast %broadcast_in_dim3A_47 : vector<16xf32> to vector<16xf32>
    tpu.vector_store %arg6[%swap3A_48], %swap3A_51 {strides = array<i32>} : memref<640xf32, #tpu.memory_space<vmem>>, vector<16xf32>,
    %broadcast_in_dim3A_52 = arith.constant 0.000000e+00 : f32
    %broadcast_in_dim3A_53 = vector.broadcast %broadcast_in_dim3A_52 : f32 to vector<16xf32>
    %swap3A_54 = arith.constant 144 : index
    %swap3A_55 = tpu.vector_load %arg6[%swap3A_54] {strides = array<i32>} : memref<640xf32, #tpu.memory_space<vmem>>, vector<16xf32>,
    %swap3A_56 = vector.shape_cast %swap3A_55 : vector<16xf32> to vector<16xf32>
    %swap3A_57 = vector.shape_cast %broadcast_in_dim3A_53 : vector<16xf32> to vector<16xf32>
    tpu.vector_store %arg6[%swap3A_54], %swap3A_57 {strides = array<i32>} : memref<640xf32, #tpu.memory_space<vmem>>, vector<16xf32>,
    %broadcast_in_dim3A_58 = arith.constant 0.000000e+00 : f32
    %broadcast_in_dim3A_59 = vector.broadcast %broadcast_in_dim3A_58 : f32 to vector<16xf32>
    %swap3A_60 = arith.constant 160 : index
    %swap3A_61 = tpu.vector_load %arg6[%swap3A_60] {strides = array<i32>} : memref<640xf32, #tpu.memory_space<vmem>>, vector<16xf32>,
    %swap3A_62 = vector.shape_cast %swap3A_61 : vector<16xf32> to vector<16xf32>
    %swap3A_63 = vector.shape_cast %broadcast_in_dim3A_59 : vector<16xf32> to vector<16xf32>
    tpu.vector_store %arg6[%swap3A_60], %swap3A_63 {strides = array<i32>} : memref<640xf32, #tpu.memory_space<vmem>>, vector<16xf32>,
    %broadcast_in_dim3A_64 = arith.constant 0.000000e+00 : f32
    %broadcast_in_dim3A_65 = vector.broadcast %broadcast_in_dim3A_64 : f32 to vector<16xf32>
    %swap3A_66 = arith.constant 176 : index
    %swap3A_67 = tpu.vector_load %arg6[%swap3A_66] {strides = array<i32>} : memref<640xf32, #tpu.memory_space<vmem>>, vector<16xf32>,
    %swap3A_68 = vector.shape_cast %swap3A_67 : vector<16xf32> to vector<16xf32>
    %swap3A_69 = vector.shape_cast %broadcast_in_dim3A_65 : vector<16xf32> to vector<16xf32>
    tpu.vector_store %arg6[%swap3A_66], %swap3A_69 {strides = array<i32>} : memref<640xf32, #tpu.memory_space<vmem>>, vector<16xf32>,
    %broadcast_in_dim3A_70 = arith.constant 0.000000e+00 : f32
    %broadcast_in_dim3A_71 = vector.broadcast %broadcast_in_dim3A_70 : f32 to vector<16xf32>
    %swap3A_72 = arith.constant 192 : index
    %swap3A_73 = tpu.vector_load %arg6[%swap3A_72] {strides = array<i32>} : memref<640xf32, #tpu.memory_space<vmem>>, vector<16xf32>,
    %swap3A_74 = vector.shape_cast %swap3A_73 : vector<16xf32> to vector<16xf32>
    %swap3A_75 = vector.shape_cast %broadcast_in_dim3A_71 : vector<16xf32> to vector<16xf32>
    tpu.vector_store %arg6[%swap3A_72], %swap3A_75 {strides = array<i32>} : memref<640xf32, #tpu.memory_space<vmem>>, vector<16xf32>,
    %broadcast_in_dim3A_76 = arith.constant 0.000000e+00 : f32
    %broadcast_in_dim3A_77 = vector.broadcast %broadcast_in_dim3A_76 : f32 to vector<16xf32>
    %swap3A_78 = arith.constant 208 : index
    %swap3A_79 = tpu.vector_load %arg6[%swap3A_78] {strides = array<i32>} : memref<640xf32, #tpu.memory_space<vmem>>, vector<16xf32>,
    %swap3A_80 = vector.shape_cast %swap3A_79 : vector<16xf32> to vector<16xf32>
    %swap3A_81 = vector.shape_cast %broadcast_in_dim3A_77 : vector<16xf32> to vector<16xf32>
    tpu.vector_store %arg6[%swap3A_78], %swap3A_81 {strides = array<i32>} : memref<640xf32, #tpu.memory_space<vmem>>, vector<16xf32>,
    %broadcast_in_dim3A_82 = arith.constant 0.000000e+00 : f32
    %broadcast_in_dim3A_83 = vector.broadcast %broadcast_in_dim3A_82 : f32 to vector<16xf32>
    %swap3A_84 = arith.constant 224 : index
    %swap3A_85 = tpu.vector_load %arg6[%swap3A_84] {strides = array<i32>} : memref<640xf32, #tpu.memory_space<vmem>>, vector<16xf32>,
    %swap3A_86 = vector.shape_cast %swap3A_85 : vector<16xf32> to vector<16xf32>
    %swap3A_87 = vector.shape_cast %broadcast_in_dim3A_83 : vector<16xf32> to vector<16xf32>
    tpu.vector_store %arg6[%swap3A_84], %swap3A_87 {strides = array<i32>} : memref<640xf32, #tpu.memory_space<vmem>>, vector<16xf32>,
    %broadcast_in_dim3A_88 = arith.constant 0.000000e+00 : f32
    %broadcast_in_dim3A_89 = vector.broadcast %broadcast_in_dim3A_88 : f32 to vector<16xf32>
    %swap3A_90 = arith.constant 240 : index
    %swap3A_91 = tpu.vector_load %arg6[%swap3A_90] {strides = array<i32>} : memref<640xf32, #tpu.memory_space<vmem>>, vector<16xf32>,
    %swap3A_92 = vector.shape_cast %swap3A_91 : vector<16xf32> to vector<16xf32>
    %swap3A_93 = vector.shape_cast %broadcast_in_dim3A_89 : vector<16xf32> to vector<16xf32>
    tpu.vector_store %arg6[%swap3A_90], %swap3A_93 {strides = array<i32>} : memref<640xf32, #tpu.memory_space<vmem>>, vector<16xf32>,
    %broadcast_in_dim3A_94 = arith.constant 0.000000e+00 : f32
    %broadcast_in_dim3A_95 = vector.broadcast %broadcast_in_dim3A_94 : f32 to vector<16xf32>
    %swap3A_96 = arith.constant 256 : index
    %swap3A_97 = tpu.vector_load %arg6[%swap3A_96] {strides = array<i32>} : memref<640xf32, #tpu.memory_space<vmem>>, vector<16xf32>,
    %swap3A_98 = vector.shape_cast %swap3A_97 : vector<16xf32> to vector<16xf32>
    %swap3A_99 = vector.shape_cast %broadcast_in_dim3A_95 : vector<16xf32> to vector<16xf32>
    tpu.vector_store %arg6[%swap3A_96], %swap3A_99 {strides = array<i32>} : memref<640xf32, #tpu.memory_space<vmem>>, vector<16xf32>,
    %broadcast_in_dim3A_100 = arith.constant 0.000000e+00 : f32
    %broadcast_in_dim3A_101 = vector.broadcast %broadcast_in_dim3A_100 : f32 to vector<16xf32>
    %swap3A_102 = arith.constant 272 : index
    %swap3A_103 = tpu.vector_load %arg6[%swap3A_102] {strides = array<i32>} : memref<640xf32, #tpu.memory_space<vmem>>, vector<16xf32>,
    %swap3A_104 = vector.shape_cast %swap3A_103 : vector<16xf32> to vector<16xf32>
    %swap3A_105 = vector.shape_cast %broadcast_in_dim3A_101 : vector<16xf32> to vector<16xf32>
    tpu.vector_store %arg6[%swap3A_102], %swap3A_105 {strides = array<i32>} : memref<640xf32, #tpu.memory_space<vmem>>, vector<16xf32>,
    %broadcast_in_dim3A_106 = arith.constant 0.000000e+00 : f32
    %broadcast_in_dim3A_107 = vector.broadcast %broadcast_in_dim3A_106 : f32 to vector<16xf32>
    %swap3A_108 = arith.constant 288 : index
    %swap3A_109 = tpu.vector_load %arg6[%swap3A_108] {strides = array<i32>} : memref<640xf32, #tpu.memory_space<vmem>>, vector<16xf32>,
    %swap3A_110 = vector.shape_cast %swap3A_109 : vector<16xf32> to vector<16xf32>
    %swap3A_111 = vector.shape_cast %broadcast_in_dim3A_107 : vector<16xf32> to vector<16xf32>
    tpu.vector_store %arg6[%swap3A_108], %swap3A_111 {strides = array<i32>} : memref<640xf32, #tpu.memory_space<vmem>>, vector<16xf32>,
    %broadcast_in_dim3A_112 = arith.constant 0.000000e+00 : f32
    %broadcast_in_dim3A_113 = vector.broadcast %broadcast_in_dim3A_112 : f32 to vector<16xf32>
    %swap3A_114 = arith.constant 304 : index
    %swap3A_115 = tpu.vector_load %arg6[%swap3A_114] {strides = array<i32>} : memref<640xf32, #tpu.memory_space<vmem>>, vector<16xf32>,
    %swap3A_116 = vector.shape_cast %swap3A_115 : vector<16xf32> to vector<16xf32>
    %swap3A_117 = vector.shape_cast %broadcast_in_dim3A_113 : vector<16xf32> to vector<16xf32>
    tpu.vector_store %arg6[%swap3A_114], %swap3A_117 {strides = array<i32>} : memref<640xf32, #tpu.memory_space<vmem>>, vector<16xf32>,
    %broadcast_in_dim3A_118 = arith.constant 0.000000e+00 : f32
    %broadcast_in_dim3A_119 = vector.broadcast %broadcast_in_dim3A_118 : f32 to vector<16xf32>
    %swap3A_120 = arith.constant 320 : index
    %swap3A_121 = tpu.vector_load %arg6[%swap3A_120] {strides = array<i32>} : memref<640xf32, #tpu.memory_space<vmem>>, vector<16xf32>,
    %swap3A_122 = vector.shape_cast %swap3A_121 : vector<16xf32> to vector<16xf32>
    %swap3A_123 = vector.shape_cast %broadcast_in_dim3A_119 : vector<16xf32> to vector<16xf32>
    tpu.vector_store %arg6[%swap3A_120], %swap3A_123 {strides = array<i32>} : memref<640xf32, #tpu.memory_space<vmem>>, vector<16xf32>,
    %broadcast_in_dim3A_124 = arith.constant 0.000000e+00 : f32
    %broadcast_in_dim3A_125 = vector.broadcast %broadcast_in_dim3A_124 : f32 to vector<16xf32>
    %swap3A_126 = arith.constant 336 : index
    %swap3A_127 = tpu.vector_load %arg6[%swap3A_126] {strides = array<i32>} : memref<640xf32, #tpu.memory_space<vmem>>, vector<16xf32>,
    %swap3A_128 = vector.shape_cast %swap3A_127 : vector<16xf32> to vector<16xf32>
    %swap3A_129 = vector.shape_cast %broadcast_in_dim3A_125 : vector<16xf32> to vector<16xf32>
    tpu.vector_store %arg6[%swap3A_126], %swap3A_129 {strides = array<i32>} : memref<640xf32, #tpu.memory_space<vmem>>, vector<16xf32>,
    %broadcast_in_dim3A_130 = arith.constant 0.000000e+00 : f32
    %broadcast_in_dim3A_131 = vector.broadcast %broadcast_in_dim3A_130 : f32 to vector<16xf32>
    %swap3A_132 = arith.constant 352 : index
    %swap3A_133 = tpu.vector_load %arg6[%swap3A_132] {strides = array<i32>} : memref<640xf32, #tpu.memory_space<vmem>>, vector<16xf32>,
    %swap3A_134 = vector.shape_cast %swap3A_133 : vector<16xf32> to vector<16xf32>
    %swap3A_135 = vector.shape_cast %broadcast_in_dim3A_131 : vector<16xf32> to vector<16xf32>
    tpu.vector_store %arg6[%swap3A_132], %swap3A_135 {strides = array<i32>} : memref<640xf32, #tpu.memory_space<vmem>>, vector<16xf32>,
    %broadcast_in_dim3A_136 = arith.constant 0.000000e+00 : f32
    %broadcast_in_dim3A_137 = vector.broadcast %broadcast_in_dim3A_136 : f32 to vector<16xf32>
    %swap3A_138 = arith.constant 368 : index
    %swap3A_139 = tpu.vector_load %arg6[%swap3A_138] {strides = array<i32>} : memref<640xf32, #tpu.memory_space<vmem>>, vector<16xf32>,
    %swap3A_140 = vector.shape_cast %swap3A_139 : vector<16xf32> to vector<16xf32>
    %swap3A_141 = vector.shape_cast %broadcast_in_dim3A_137 : vector<16xf32> to vector<16xf32>
    tpu.vector_store %arg6[%swap3A_138], %swap3A_141 {strides = array<i32>} : memref<640xf32, #tpu.memory_space<vmem>>, vector<16xf32>,
    %broadcast_in_dim3A_142 = arith.constant 0.000000e+00 : f32
    %broadcast_in_dim3A_143 = vector.broadcast %broadcast_in_dim3A_142 : f32 to vector<16xf32>
    %swap3A_144 = arith.constant 384 : index
    %swap3A_145 = tpu.vector_load %arg6[%swap3A_144] {strides = array<i32>} : memref<640xf32, #tpu.memory_space<vmem>>, vector<16xf32>,
    %swap3A_146 = vector.shape_cast %swap3A_145 : vector<16xf32> to vector<16xf32>
    %swap3A_147 = vector.shape_cast %broadcast_in_dim3A_143 : vector<16xf32> to vector<16xf32>
    tpu.vector_store %arg6[%swap3A_144], %swap3A_147 {strides = array<i32>} : memref<640xf32, #tpu.memory_space<vmem>>, vector<16xf32>,
    %broadcast_in_dim3A_148 = arith.constant 0.000000e+00 : f32
    %broadcast_in_dim3A_149 = vector.broadcast %broadcast_in_dim3A_148 : f32 to vector<16xf32>
    %swap3A_150 = arith.constant 400 : index
    %swap3A_151 = tpu.vector_load %arg6[%swap3A_150] {strides = array<i32>} : memref<640xf32, #tpu.memory_space<vmem>>, vector<16xf32>,
    %swap3A_152 = vector.shape_cast %swap3A_151 : vector<16xf32> to vector<16xf32>
    %swap3A_153 = vector.shape_cast %broadcast_in_dim3A_149 : vector<16xf32> to vector<16xf32>
    tpu.vector_store %arg6[%swap3A_150], %swap3A_153 {strides = array<i32>} : memref<640xf32, #tpu.memory_space<vmem>>, vector<16xf32>,
    %broadcast_in_dim3A_154 = arith.constant 0.000000e+00 : f32
    %broadcast_in_dim3A_155 = vector.broadcast %broadcast_in_dim3A_154 : f32 to vector<16xf32>
    %swap3A_156 = arith.constant 416 : index
    %swap3A_157 = tpu.vector_load %arg6[%swap3A_156] {strides = array<i32>} : memref<640xf32, #tpu.memory_space<vmem>>, vector<16xf32>,
    %swap3A_158 = vector.shape_cast %swap3A_157 : vector<16xf32> to vector<16xf32>
    %swap3A_159 = vector.shape_cast %broadcast_in_dim3A_155 : vector<16xf32> to vector<16xf32>
    tpu.vector_store %arg6[%swap3A_156], %swap3A_159 {strides = array<i32>} : memref<640xf32, #tpu.memory_space<vmem>>, vector<16xf32>,
    %broadcast_in_dim3A_160 = arith.constant 0.000000e+00 : f32
    %broadcast_in_dim3A_161 = vector.broadcast %broadcast_in_dim3A_160 : f32 to vector<16xf32>
    %swap3A_162 = arith.constant 432 : index
    %swap3A_163 = tpu.vector_load %arg6[%swap3A_162] {strides = array<i32>} : memref<640xf32, #tpu.memory_space<vmem>>, vector<16xf32>,
    %swap3A_164 = vector.shape_cast %swap3A_163 : vector<16xf32> to vector<16xf32>
    %swap3A_165 = vector.shape_cast %broadcast_in_dim3A_161 : vector<16xf32> to vector<16xf32>
    tpu.vector_store %arg6[%swap3A_162], %swap3A_165 {strides = array<i32>} : memref<640xf32, #tpu.memory_space<vmem>>, vector<16xf32>,
    %broadcast_in_dim3A_166 = arith.constant 0.000000e+00 : f32
    %broadcast_in_dim3A_167 = vector.broadcast %broadcast_in_dim3A_166 : f32 to vector<16xf32>
    %swap3A_168 = arith.constant 448 : index
    %swap3A_169 = tpu.vector_load %arg6[%swap3A_168] {strides = array<i32>} : memref<640xf32, #tpu.memory_space<vmem>>, vector<16xf32>,
    %swap3A_170 = vector.shape_cast %swap3A_169 : vector<16xf32> to vector<16xf32>
    %swap3A_171 = vector.shape_cast %broadcast_in_dim3A_167 : vector<16xf32> to vector<16xf32>
    tpu.vector_store %arg6[%swap3A_168], %swap3A_171 {strides = array<i32>} : memref<640xf32, #tpu.memory_space<vmem>>, vector<16xf32>,
    %broadcast_in_dim3A_172 = arith.constant 0.000000e+00 : f32
    %broadcast_in_dim3A_173 = vector.broadcast %broadcast_in_dim3A_172 : f32 to vector<16xf32>
    %swap3A_174 = arith.constant 464 : index
    %swap3A_175 = tpu.vector_load %arg6[%swap3A_174] {strides = array<i32>} : memref<640xf32, #tpu.memory_space<vmem>>, vector<16xf32>,
    %swap3A_176 = vector.shape_cast %swap3A_175 : vector<16xf32> to vector<16xf32>
    %swap3A_177 = vector.shape_cast %broadcast_in_dim3A_173 : vector<16xf32> to vector<16xf32>
    tpu.vector_store %arg6[%swap3A_174], %swap3A_177 {strides = array<i32>} : memref<640xf32, #tpu.memory_space<vmem>>, vector<16xf32>,
    %broadcast_in_dim3A_178 = arith.constant 0.000000e+00 : f32
    %broadcast_in_dim3A_179 = vector.broadcast %broadcast_in_dim3A_178 : f32 to vector<16xf32>
    %swap3A_180 = arith.constant 480 : index
    %swap3A_181 = tpu.vector_load %arg6[%swap3A_180] {strides = array<i32>} : memref<640xf32, #tpu.memory_space<vmem>>, vector<16xf32>,
    %swap3A_182 = vector.shape_cast %swap3A_181 : vector<16xf32> to vector<16xf32>
    %swap3A_183 = vector.shape_cast %broadcast_in_dim3A_179 : vector<16xf32> to vector<16xf32>
    tpu.vector_store %arg6[%swap3A_180], %swap3A_183 {strides = array<i32>} : memref<640xf32, #tpu.memory_space<vmem>>, vector<16xf32>,
    %broadcast_in_dim3A_184 = arith.constant 0.000000e+00 : f32
    %broadcast_in_dim3A_185 = vector.broadcast %broadcast_in_dim3A_184 : f32 to vector<16xf32>
    %swap3A_186 = arith.constant 496 : index
    %swap3A_187 = tpu.vector_load %arg6[%swap3A_186] {strides = array<i32>} : memref<640xf32, #tpu.memory_space<vmem>>, vector<16xf32>,
    %swap3A_188 = vector.shape_cast %swap3A_187 : vector<16xf32> to vector<16xf32>
    %swap3A_189 = vector.shape_cast %broadcast_in_dim3A_185 : vector<16xf32> to vector<16xf32>
    tpu.vector_store %arg6[%swap3A_186], %swap3A_189 {strides = array<i32>} : memref<640xf32, #tpu.memory_space<vmem>>, vector<16xf32>,
    %broadcast_in_dim3A_190 = arith.constant 0.000000e+00 : f32
    %broadcast_in_dim3A_191 = vector.broadcast %broadcast_in_dim3A_190 : f32 to vector<16xf32>
    %swap3A_192 = arith.constant 512 : index
    %swap3A_193 = tpu.vector_load %arg6[%swap3A_192] {strides = array<i32>} : memref<640xf32, #tpu.memory_space<vmem>>, vector<16xf32>,
    %swap3A_194 = vector.shape_cast %swap3A_193 : vector<16xf32> to vector<16xf32>
    %swap3A_195 = vector.shape_cast %broadcast_in_dim3A_191 : vector<16xf32> to vector<16xf32>
    tpu.vector_store %arg6[%swap3A_192], %swap3A_195 {strides = array<i32>} : memref<640xf32, #tpu.memory_space<vmem>>, vector<16xf32>,
    %broadcast_in_dim3A_196 = arith.constant 0.000000e+00 : f32
    %broadcast_in_dim3A_197 = vector.broadcast %broadcast_in_dim3A_196 : f32 to vector<16xf32>
    %swap3A_198 = arith.constant 528 : index
    %swap3A_199 = tpu.vector_load %arg6[%swap3A_198] {strides = array<i32>} : memref<640xf32, #tpu.memory_space<vmem>>, vector<16xf32>,
    %swap3A_200 = vector.shape_cast %swap3A_199 : vector<16xf32> to vector<16xf32>
    %swap3A_201 = vector.shape_cast %broadcast_in_dim3A_197 : vector<16xf32> to vector<16xf32>
    tpu.vector_store %arg6[%swap3A_198], %swap3A_201 {strides = array<i32>} : memref<640xf32, #tpu.memory_space<vmem>>, vector<16xf32>,
    %broadcast_in_dim3A_202 = arith.constant 0.000000e+00 : f32
    %broadcast_in_dim3A_203 = vector.broadcast %broadcast_in_dim3A_202 : f32 to vector<16xf32>
    %swap3A_204 = arith.constant 544 : index
    %swap3A_205 = tpu.vector_load %arg6[%swap3A_204] {strides = array<i32>} : memref<640xf32, #tpu.memory_space<vmem>>, vector<16xf32>,
    %swap3A_206 = vector.shape_cast %swap3A_205 : vector<16xf32> to vector<16xf32>
    %swap3A_207 = vector.shape_cast %broadcast_in_dim3A_203 : vector<16xf32> to vector<16xf32>
    tpu.vector_store %arg6[%swap3A_204], %swap3A_207 {strides = array<i32>} : memref<640xf32, #tpu.memory_space<vmem>>, vector<16xf32>,
    %broadcast_in_dim3A_208 = arith.constant 0.000000e+00 : f32
    %broadcast_in_dim3A_209 = vector.broadcast %broadcast_in_dim3A_208 : f32 to vector<16xf32>
    %swap3A_210 = arith.constant 560 : index
    %swap3A_211 = tpu.vector_load %arg6[%swap3A_210] {strides = array<i32>} : memref<640xf32, #tpu.memory_space<vmem>>, vector<16xf32>,
    %swap3A_212 = vector.shape_cast %swap3A_211 : vector<16xf32> to vector<16xf32>
    %swap3A_213 = vector.shape_cast %broadcast_in_dim3A_209 : vector<16xf32> to vector<16xf32>
    tpu.vector_store %arg6[%swap3A_210], %swap3A_213 {strides = array<i32>} : memref<640xf32, #tpu.memory_space<vmem>>, vector<16xf32>,
    %broadcast_in_dim3A_214 = arith.constant 0.000000e+00 : f32
    %broadcast_in_dim3A_215 = vector.broadcast %broadcast_in_dim3A_214 : f32 to vector<16xf32>
    %swap3A_216 = arith.constant 576 : index
    %swap3A_217 = tpu.vector_load %arg6[%swap3A_216] {strides = array<i32>} : memref<640xf32, #tpu.memory_space<vmem>>, vector<16xf32>,
    %swap3A_218 = vector.shape_cast %swap3A_217 : vector<16xf32> to vector<16xf32>
    %swap3A_219 = vector.shape_cast %broadcast_in_dim3A_215 : vector<16xf32> to vector<16xf32>
    tpu.vector_store %arg6[%swap3A_216], %swap3A_219 {strides = array<i32>} : memref<640xf32, #tpu.memory_space<vmem>>, vector<16xf32>,
    %broadcast_in_dim3A_220 = arith.constant 0.000000e+00 : f32
    %broadcast_in_dim3A_221 = vector.broadcast %broadcast_in_dim3A_220 : f32 to vector<16xf32>
    %swap3A_222 = arith.constant 592 : index
    %swap3A_223 = tpu.vector_load %arg6[%swap3A_222] {strides = array<i32>} : memref<640xf32, #tpu.memory_space<vmem>>, vector<16xf32>,
    %swap3A_224 = vector.shape_cast %swap3A_223 : vector<16xf32> to vector<16xf32>
    %swap3A_225 = vector.shape_cast %broadcast_in_dim3A_221 : vector<16xf32> to vector<16xf32>
    tpu.vector_store %arg6[%swap3A_222], %swap3A_225 {strides = array<i32>} : memref<640xf32, #tpu.memory_space<vmem>>, vector<16xf32>,
    %broadcast_in_dim3A_226 = arith.constant 0.000000e+00 : f32
    %broadcast_in_dim3A_227 = vector.broadcast %broadcast_in_dim3A_226 : f32 to vector<16xf32>
    %swap3A_228 = arith.constant 608 : index
    %swap3A_229 = tpu.vector_load %arg6[%swap3A_228] {strides = array<i32>} : memref<640xf32, #tpu.memory_space<vmem>>, vector<16xf32>,
    %swap3A_230 = vector.shape_cast %swap3A_229 : vector<16xf32> to vector<16xf32>
    %swap3A_231 = vector.shape_cast %broadcast_in_dim3A_227 : vector<16xf32> to vector<16xf32>
    tpu.vector_store %arg6[%swap3A_228], %swap3A_231 {strides = array<i32>} : memref<640xf32, #tpu.memory_space<vmem>>, vector<16xf32>,
    %broadcast_in_dim3A_232 = arith.constant 0.000000e+00 : f32
    %broadcast_in_dim3A_233 = vector.broadcast %broadcast_in_dim3A_232 : f32 to vector<16xf32>
    %swap3A_234 = arith.constant 624 : index
    %swap3A_235 = tpu.vector_load %arg6[%swap3A_234] {strides = array<i32>} : memref<640xf32, #tpu.memory_space<vmem>>, vector<16xf32>,
    %swap3A_236 = vector.shape_cast %swap3A_235 : vector<16xf32> to vector<16xf32>
    %swap3A_237 = vector.shape_cast %broadcast_in_dim3A_233 : vector<16xf32> to vector<16xf32>
    tpu.vector_store %arg6[%swap3A_234], %swap3A_237 {strides = array<i32>} : memref<640xf32, #tpu.memory_space<vmem>>, vector<16xf32>,
    %broadcast_in_dim3A_238 = arith.constant 1.000000e+00 : f32
    %broadcast_in_dim3A_239 = vector.broadcast %broadcast_in_dim3A_238 : f32 to vector<16xf32>
    %swap3A_240 = arith.constant 0 : index
    %swap3A_241 = tpu.vector_load %arg5[%swap3A_240] {strides = array<i32>} : memref<80xf32, #tpu.memory_space<vmem>>, vector<16xf32>,
    %swap3A_242 = vector.shape_cast %swap3A_241 : vector<16xf32> to vector<16xf32>
    %swap3A_243 = vector.shape_cast %broadcast_in_dim3A_239 : vector<16xf32> to vector<16xf32>
    tpu.vector_store %arg5[%swap3A_240], %swap3A_243 {strides = array<i32>} : memref<80xf32, #tpu.memory_space<vmem>>, vector<16xf32>,
    %broadcast_in_dim3A_244 = arith.constant 1.000000e+00 : f32
    %broadcast_in_dim3A_245 = vector.broadcast %broadcast_in_dim3A_244 : f32 to vector<16xf32>
    %swap3A_246 = arith.constant 16 : index
    %swap3A_247 = tpu.vector_load %arg5[%swap3A_246] {strides = array<i32>} : memref<80xf32, #tpu.memory_space<vmem>>, vector<16xf32>,
    %swap3A_248 = vector.shape_cast %swap3A_247 : vector<16xf32> to vector<16xf32>
    %swap3A_249 = vector.shape_cast %broadcast_in_dim3A_245 : vector<16xf32> to vector<16xf32>
    tpu.vector_store %arg5[%swap3A_246], %swap3A_249 {strides = array<i32>} : memref<80xf32, #tpu.memory_space<vmem>>, vector<16xf32>,
    %broadcast_in_dim3A_250 = arith.constant 1.000000e+00 : f32
    %broadcast_in_dim3A_251 = vector.broadcast %broadcast_in_dim3A_250 : f32 to vector<16xf32>
    %swap3A_252 = arith.constant 32 : index
    %swap3A_253 = tpu.vector_load %arg5[%swap3A_252] {strides = array<i32>} : memref<80xf32, #tpu.memory_space<vmem>>, vector<16xf32>,
    %swap3A_254 = vector.shape_cast %swap3A_253 : vector<16xf32> to vector<16xf32>
    %swap3A_255 = vector.shape_cast %broadcast_in_dim3A_251 : vector<16xf32> to vector<16xf32>
    tpu.vector_store %arg5[%swap3A_252], %swap3A_255 {strides = array<i32>} : memref<80xf32, #tpu.memory_space<vmem>>, vector<16xf32>,
    %broadcast_in_dim3A_256 = arith.constant 1.000000e+00 : f32
    %broadcast_in_dim3A_257 = vector.broadcast %broadcast_in_dim3A_256 : f32 to vector<16xf32>
    %swap3A_258 = arith.constant 48 : index
    %swap3A_259 = tpu.vector_load %arg5[%swap3A_258] {strides = array<i32>} : memref<80xf32, #tpu.memory_space<vmem>>, vector<16xf32>,
    %swap3A_260 = vector.shape_cast %swap3A_259 : vector<16xf32> to vector<16xf32>
    %swap3A_261 = vector.shape_cast %broadcast_in_dim3A_257 : vector<16xf32> to vector<16xf32>
    tpu.vector_store %arg5[%swap3A_258], %swap3A_261 {strides = array<i32>} : memref<80xf32, #tpu.memory_space<vmem>>, vector<16xf32>,
    %broadcast_in_dim3A_262 = arith.constant 1.000000e+00 : f32
    %broadcast_in_dim3A_263 = vector.broadcast %broadcast_in_dim3A_262 : f32 to vector<16xf32>
    %swap3A_264 = arith.constant 64 : index
    %swap3A_265 = tpu.vector_load %arg5[%swap3A_264] {strides = array<i32>} : memref<80xf32, #tpu.memory_space<vmem>>, vector<16xf32>,
    %swap3A_266 = vector.shape_cast %swap3A_265 : vector<16xf32> to vector<16xf32>
    %swap3A_267 = vector.shape_cast %broadcast_in_dim3A_263 : vector<16xf32> to vector<16xf32>
    tpu.vector_store %arg5[%swap3A_264], %swap3A_267 {strides = array<i32>} : memref<80xf32, #tpu.memory_space<vmem>>, vector<16xf32>,
    %mul3A = arith.constant 640 : i32
    %mul3A_268 = arith.muli %arg1, %mul3A : i32
    "tpu.region"() ({
      %run_scoped3A = tpu.sem_alloc : memref<!tpu.dma_semaphore, #tpu.memory_space<semaphore_mem>>
      %dma_start3A = tpu.memref_slice %arg7[%mul3A_268] : memref<10240xf32, #tpu.memory_space<vmem_shared>> -> memref<640xf32, #tpu.memory_space<vmem_shared>>
      %dma_start3A_285 = tpu.memref_slice %arg7[%mul3A_268] : memref<10240xf32, #tpu.memory_space<vmem_shared>> -> memref<640xf32, #tpu.memory_space<vmem_shared>>
      tpu.enqueue_dma source(%arg6 : memref<640xf32, #tpu.memory_space<vmem>>) target(%dma_start3A_285 : memref<640xf32, #tpu.memory_space<vmem_shared>>) target_semaphore(%run_scoped3A : memref<!tpu.dma_semaphore, #tpu.memory_space<semaphore_mem>>)
      %dma_wait3A = tpu.memref_slice %arg7[%mul3A_268] : memref<10240xf32, #tpu.memory_space<vmem_shared>> -> memref<640xf32, #tpu.memory_space<vmem_shared>>
      %dma_wait3A_286 = tpu.memref_slice %arg7[%mul3A_268] : memref<10240xf32, #tpu.memory_space<vmem_shared>> -> memref<640xf32, #tpu.memory_space<vmem_shared>>
      tpu.wait_dma2 semaphore(%run_scoped3A : memref<!tpu.dma_semaphore, #tpu.memory_space<semaphore_mem>>) src(%arg6 : memref<640xf32, #tpu.memory_space<vmem>>) dst(%dma_wait3A_286 : memref<640xf32, #tpu.memory_space<vmem_shared>>)
      tpu.yield
    }) : () -> ()
    "tpu.region"() ({
      %run_scoped3A = tpu.sem_alloc : memref<!tpu.dma_semaphore, #tpu.memory_space<semaphore_mem>>
      %dma_start3A = arith.constant 0 : i32
      %dma_start3A_285 = arith.constant 0 : i32
      %dma_start3A_286 = tpu.memref_slice %arg2[%arg1, %dma_start3A, %dma_start3A_285] : memref<16x126x80xi32, #tpu.memory_space<hbm>> -> memref<1x126x80xi32, #tpu.memory_space<hbm>>
      %dma_start3A_287 = tpu.memref_squeeze %dma_start3A_286 : memref<1x126x80xi32, #tpu.memory_space<hbm>> -> memref<126x80xi32, #tpu.memory_space<hbm>>
      %dma_start3A_288 = arith.constant 0 : i32
      %dma_start3A_289 = arith.constant 0 : i32
      %dma_start3A_290 = tpu.memref_slice %arg2[%arg1, %dma_start3A_288, %dma_start3A_289] : memref<16x126x80xi32, #tpu.memory_space<hbm>> -> memref<1x126x80xi32, #tpu.memory_space<hbm>>
      %dma_start3A_291 = tpu.memref_squeeze %dma_start3A_290 : memref<1x126x80xi32, #tpu.memory_space<hbm>> -> memref<126x80xi32, #tpu.memory_space<hbm>>
      tpu.enqueue_dma source(%dma_start3A_291 : memref<126x80xi32, #tpu.memory_space<hbm>>) target(%arg4 : memref<126x80xi32, #tpu.memory_space<vmem>>) target_semaphore(%run_scoped3A : memref<!tpu.dma_semaphore, #tpu.memory_space<semaphore_mem>>)
      %dma_wait3A = arith.constant 0 : i32
      %dma_wait3A_292 = arith.constant 0 : i32
      %dma_wait3A_293 = tpu.memref_slice %arg2[%arg1, %dma_wait3A, %dma_wait3A_292] : memref<16x126x80xi32, #tpu.memory_space<hbm>> -> memref<1x126x80xi32, #tpu.memory_space<hbm>>
      %dma_wait3A_294 = tpu.memref_squeeze %dma_wait3A_293 : memref<1x126x80xi32, #tpu.memory_space<hbm>> -> memref<126x80xi32, #tpu.memory_space<hbm>>
      %dma_wait3A_295 = arith.constant 0 : i32
      %dma_wait3A_296 = arith.constant 0 : i32
      %dma_wait3A_297 = tpu.memref_slice %arg2[%arg1, %dma_wait3A_295, %dma_wait3A_296] : memref<16x126x80xi32, #tpu.memory_space<hbm>> -> memref<1x126x80xi32, #tpu.memory_space<hbm>>
      %dma_wait3A_298 = tpu.memref_squeeze %dma_wait3A_297 : memref<1x126x80xi32, #tpu.memory_space<hbm>> -> memref<126x80xi32, #tpu.memory_space<hbm>>
      tpu.wait_dma2 semaphore(%run_scoped3A : memref<!tpu.dma_semaphore, #tpu.memory_space<semaphore_mem>>) src(%dma_wait3A_298 : memref<126x80xi32, #tpu.memory_space<hbm>>) dst(%arg4 : memref<126x80xi32, #tpu.memory_space<vmem>>)
      tpu.yield
    }) : () -> ()
    %barrier3A = arith.constant 0 : index
    tpu.barrier barrier_id(%barrier3A)
    %mul3A_269 = arith.constant 63 : i32
    %mul3A_270 = arith.muli %mul3A_269, %arg0 : i32
    %add3A = arith.constant 63 : i32
    %add3A_271 = arith.addi %mul3A_270, %add3A : i32
    %while3A = arith.constant 0 : i32
    %while3A_272 = arith.subi %add3A_271, %mul3A_270 : i32
    %while3A_273 = arith.addi %mul3A_270, %while3A_272 : i32
    %while3A_274 = arith.constant 1 : i32
    %while3A_275 = arith.divsi %while3A_272, %while3A_274 : i32
    %while3A_276 = arith.muli %while3A_275, %while3A_274 : i32
    %while3A_277 = arith.addi %mul3A_270, %while3A_276 : i32
    %while3A_278 = arith.constant 1 : i32
    scf.for %while3A_285 = %mul3A_270 to %while3A_277 step %while3A_278  : i32 {
      "tpu.region"() ({
        %run_scoped3A = tpu.sem_alloc : memref<!tpu.dma_semaphore, #tpu.memory_space<semaphore_mem>>
        %dma_start3A = arith.constant 0 : i32
        %dma_start3A_286 = tpu.memref_slice %arg4[%while3A_285, %dma_start3A] : memref<126x80xi32, #tpu.memory_space<vmem>> -> memref<1x80xi32, #tpu.memory_space<vmem>>
        %dma_start3A_287 = tpu.memref_squeeze %dma_start3A_286 : memref<1x80xi32, #tpu.memory_space<vmem>> -> memref<80xi32, #tpu.memory_space<vmem>>
        %dma_start3A_288 = arith.constant 0 : i32
        %dma_start3A_289 = tpu.memref_slice %arg7[%dma_start3A_288] : memref<10240xf32, #tpu.memory_space<vmem_shared>> -> memref<10240xf32, #tpu.memory_space<vmem_shared>>
        tpu.enqueue_indirect_dma source(%arg5 : memref<80xf32, #tpu.memory_space<vmem>>) target(%dma_start3A_289 : memref<10240xf32, #tpu.memory_space<vmem_shared>>) offsets(%dma_start3A_287 : memref<80xi32, #tpu.memory_space<vmem>>) semaphore(%run_scoped3A : memref<!tpu.dma_semaphore, #tpu.memory_space<semaphore_mem>>) {add = true}
        %dma_wait3A = arith.constant 0 : i32
        %dma_wait3A_290 = tpu.memref_slice %arg4[%while3A_285, %dma_wait3A] : memref<126x80xi32, #tpu.memory_space<vmem>> -> memref<1x80xi32, #tpu.memory_space<vmem>>
        %dma_wait3A_291 = tpu.memref_squeeze %dma_wait3A_290 : memref<1x80xi32, #tpu.memory_space<vmem>> -> memref<80xi32, #tpu.memory_space<vmem>>
        %dma_wait3A_292 = arith.constant 0 : i32
        %dma_wait3A_293 = tpu.memref_slice %arg7[%dma_wait3A_292] : memref<10240xf32, #tpu.memory_space<vmem_shared>> -> memref<10240xf32, #tpu.memory_space<vmem_shared>>
        tpu.wait_indirect_dma semaphore(%run_scoped3A : memref<!tpu.dma_semaphore, #tpu.memory_space<semaphore_mem>>) src(%arg5 : memref<80xf32, #tpu.memory_space<vmem>>) dst(%dma_wait3A_293 : memref<10240xf32, #tpu.memory_space<vmem_shared>>)
        tpu.yield
      }) : () -> ()
    }
    %while3A_279 = arith.constant 1 : i32
    scf.for %while3A_285 = %while3A_277 to %while3A_273 step %while3A_279  : i32 {
      "tpu.region"() ({
        %run_scoped3A = tpu.sem_alloc : memref<!tpu.dma_semaphore, #tpu.memory_space<semaphore_mem>>
        %dma_start3A = arith.constant 0 : i32
        %dma_start3A_286 = tpu.memref_slice %arg4[%while3A_285, %dma_start3A] : memref<126x80xi32, #tpu.memory_space<vmem>> -> memref<1x80xi32, #tpu.memory_space<vmem>>
        %dma_start3A_287 = tpu.memref_squeeze %dma_start3A_286 : memref<1x80xi32, #tpu.memory_space<vmem>> -> memref<80xi32, #tpu.memory_space<vmem>>
        %dma_start3A_288 = arith.constant 0 : i32
        %dma_start3A_289 = tpu.memref_slice %arg7[%dma_start3A_288] : memref<10240xf32, #tpu.memory_space<vmem_shared>> -> memref<10240xf32, #tpu.memory_space<vmem_shared>>
        tpu.enqueue_indirect_dma source(%arg5 : memref<80xf32, #tpu.memory_space<vmem>>) target(%dma_start3A_289 : memref<10240xf32, #tpu.memory_space<vmem_shared>>) offsets(%dma_start3A_287 : memref<80xi32, #tpu.memory_space<vmem>>) semaphore(%run_scoped3A : memref<!tpu.dma_semaphore, #tpu.memory_space<semaphore_mem>>) {add = true}
        %dma_wait3A = arith.constant 0 : i32
        %dma_wait3A_290 = tpu.memref_slice %arg4[%while3A_285, %dma_wait3A] : memref<126x80xi32, #tpu.memory_space<vmem>> -> memref<1x80xi32, #tpu.memory_space<vmem>>
        %dma_wait3A_291 = tpu.memref_squeeze %dma_wait3A_290 : memref<1x80xi32, #tpu.memory_space<vmem>> -> memref<80xi32, #tpu.memory_space<vmem>>
        %dma_wait3A_292 = arith.constant 0 : i32
        %dma_wait3A_293 = tpu.memref_slice %arg7[%dma_wait3A_292] : memref<10240xf32, #tpu.memory_space<vmem_shared>> -> memref<10240xf32, #tpu.memory_space<vmem_shared>>
        tpu.wait_indirect_dma semaphore(%run_scoped3A : memref<!tpu.dma_semaphore, #tpu.memory_space<semaphore_mem>>) src(%arg5 : memref<80xf32, #tpu.memory_space<vmem>>) dst(%dma_wait3A_293 : memref<10240xf32, #tpu.memory_space<vmem_shared>>)
        tpu.yield
      }) : () -> ()
    }
    %barrier3A_280 = arith.constant 0 : index
    tpu.barrier barrier_id(%barrier3A_280)
    %mul3A_281 = arith.constant 640 : i32
    %mul3A_282 = arith.muli %arg1, %mul3A_281 : i32
    "tpu.region"() ({
      %run_scoped3A = tpu.sem_alloc : memref<!tpu.dma_semaphore, #tpu.memory_space<semaphore_mem>>
      %dma_start3A = tpu.memref_slice %arg7[%mul3A_282] : memref<10240xf32, #tpu.memory_space<vmem_shared>> -> memref<640xf32, #tpu.memory_space<vmem_shared>>
      %dma_start3A_285 = tpu.memref_slice %arg7[%mul3A_282] : memref<10240xf32, #tpu.memory_space<vmem_shared>> -> memref<640xf32, #tpu.memory_space<vmem_shared>>
      tpu.enqueue_dma source(%dma_start3A_285 : memref<640xf32, #tpu.memory_space<vmem_shared>>) target(%arg6 : memref<640xf32, #tpu.memory_space<vmem>>) target_semaphore(%run_scoped3A : memref<!tpu.dma_semaphore, #tpu.memory_space<semaphore_mem>>)
      %dma_wait3A = tpu.memref_slice %arg7[%mul3A_282] : memref<10240xf32, #tpu.memory_space<vmem_shared>> -> memref<640xf32, #tpu.memory_space<vmem_shared>>
      %dma_wait3A_286 = tpu.memref_slice %arg7[%mul3A_282] : memref<10240xf32, #tpu.memory_space<vmem_shared>> -> memref<640xf32, #tpu.memory_space<vmem_shared>>
      tpu.wait_dma2 semaphore(%run_scoped3A : memref<!tpu.dma_semaphore, #tpu.memory_space<semaphore_mem>>) src(%dma_wait3A_286 : memref<640xf32, #tpu.memory_space<vmem_shared>>) dst(%arg6 : memref<640xf32, #tpu.memory_space<vmem>>)
      tpu.yield
    }) : () -> ()
    %mul3A_283 = arith.constant 640 : i32
    %mul3A_284 = arith.muli %arg1, %mul3A_283 : i32
    "tpu.region"() ({
      %run_scoped3A = tpu.sem_alloc : memref<!tpu.dma_semaphore, #tpu.memory_space<semaphore_mem>>
      %dma_start3A = tpu.memref_slice %arg3[%arg0, %mul3A_284] : memref<2x10240xf32, #tpu.memory_space<hbm>> -> memref<1x640xf32, #tpu.memory_space<hbm>>
      %dma_start3A_285 = tpu.memref_squeeze %dma_start3A : memref<1x640xf32, #tpu.memory_space<hbm>> -> memref<640xf32, #tpu.memory_space<hbm>>
      %dma_start3A_286 = tpu.memref_slice %arg3[%arg0, %mul3A_284] : memref<2x10240xf32, #tpu.memory_space<hbm>> -> memref<1x640xf32, #tpu.memory_space<hbm>>
      %dma_start3A_287 = tpu.memref_squeeze %dma_start3A_286 : memref<1x640xf32, #tpu.memory_space<hbm>> -> memref<640xf32, #tpu.memory_space<hbm>>
      tpu.enqueue_dma source(%arg6 : memref<640xf32, #tpu.memory_space<vmem>>) target(%dma_start3A_287 : memref<640xf32, #tpu.memory_space<hbm>>) target_semaphore(%run_scoped3A : memref<!tpu.dma_semaphore, #tpu.memory_space<semaphore_mem>>)
      %dma_wait3A = tpu.memref_slice %arg3[%arg0, %mul3A_284] : memref<2x10240xf32, #tpu.memory_space<hbm>> -> memref<1x640xf32, #tpu.memory_space<hbm>>
      %dma_wait3A_288 = tpu.memref_squeeze %dma_wait3A : memref<1x640xf32, #tpu.memory_space<hbm>> -> memref<640xf32, #tpu.memory_space<hbm>>
      %dma_wait3A_289 = tpu.memref_slice %arg3[%arg0, %mul3A_284] : memref<2x10240xf32, #tpu.memory_space<hbm>> -> memref<1x640xf32, #tpu.memory_space<hbm>>
      %dma_wait3A_290 = tpu.memref_squeeze %dma_wait3A_289 : memref<1x640xf32, #tpu.memory_space<hbm>> -> memref<640xf32, #tpu.memory_space<hbm>>
      tpu.wait_dma2 semaphore(%run_scoped3A : memref<!tpu.dma_semaphore, #tpu.memory_space<semaphore_mem>>) src(%arg6 : memref<640xf32, #tpu.memory_space<vmem>>) dst(%dma_wait3A_290 : memref<640xf32, #tpu.memory_space<hbm>>)
      tpu.yield
    }) : () -> ()
    return
  }
}

#map = affine_map<(d0, d1) -> (0, 0)>
#map1 = affine_map<(d0, d1) -> (0, 0, 0, 0)>
#map2 = affine_map<(d0, d1) -> (0, 0, 0)>
module attributes {stable_mosaic.version = 14 : i64} {
  func.func @_agg_body(%arg0: i32, %arg1: i32, %arg2: memref<20000x128xf32, #tpu.memory_space<hbm>>, %arg3: memref<2x16x126x80xi32, #tpu.memory_space<hbm>>, %arg4: memref<2x10240x128xf32, #tpu.memory_space<hbm>>, %arg5: memref<126x80xi32, #tpu.memory_space<vmem>>, %arg6: memref<8x80xi32, #tpu.memory_space<vmem>>, %arg7: memref<8x80xi32, #tpu.memory_space<vmem>>, %arg8: memref<8x80xi32, #tpu.memory_space<vmem>>, %arg9: memref<8x80xi32, #tpu.memory_space<vmem>>, %arg10: memref<80x128xf32, #tpu.memory_space<vmem>>, %arg11: memref<80x128xf32, #tpu.memory_space<vmem>>, %arg12: memref<10240x128xf32, #tpu.memory_space<vmem_shared>>, %arg13: memref<!tpu.dma_semaphore, #tpu.memory_space<semaphore_mem>>, %arg14: memref<!tpu.dma_semaphore, #tpu.memory_space<semaphore_mem>>, %arg15: memref<!tpu.dma_semaphore, #tpu.memory_space<semaphore_mem>>, %arg16: memref<!tpu.dma_semaphore, #tpu.memory_space<semaphore_mem>>) attributes {dimension_semantics = [#tpu.dimension_semantics<core_parallel>, #tpu.dimension_semantics<subcore_parallel>], iteration_bounds = array<i64: 2, 16>, scalar_prefetch = 0 : i64, scratch_operands = 12 : i64, tpu.core_type = #tpu.core_type<sc_vector_subcore>, window_params = [{transform_indices = #map}, {transform_indices = #map1}, {transform_indices = #map2}]} {
    %dma_start3A = arith.constant 0 : i32
    %dma_start3A_0 = arith.constant 0 : i32
    %dma_start3A_1 = tpu.memref_slice %arg3[%arg0, %arg1, %dma_start3A, %dma_start3A_0] : memref<2x16x126x80xi32, #tpu.memory_space<hbm>> -> memref<1x1x126x80xi32, #tpu.memory_space<hbm>>
    %dma_start3A_2 = tpu.memref_squeeze %dma_start3A_1 : memref<1x1x126x80xi32, #tpu.memory_space<hbm>> -> memref<126x80xi32, #tpu.memory_space<hbm>>
    %dma_start3A_3 = arith.constant 0 : i32
    %dma_start3A_4 = arith.constant 0 : i32
    %dma_start3A_5 = tpu.memref_slice %arg3[%arg0, %arg1, %dma_start3A_3, %dma_start3A_4] : memref<2x16x126x80xi32, #tpu.memory_space<hbm>> -> memref<1x1x126x80xi32, #tpu.memory_space<hbm>>
    %dma_start3A_6 = tpu.memref_squeeze %dma_start3A_5 : memref<1x1x126x80xi32, #tpu.memory_space<hbm>> -> memref<126x80xi32, #tpu.memory_space<hbm>>
    tpu.enqueue_dma source(%dma_start3A_6 : memref<126x80xi32, #tpu.memory_space<hbm>>) target(%arg5 : memref<126x80xi32, #tpu.memory_space<vmem>>) target_semaphore(%arg13 : memref<!tpu.dma_semaphore, #tpu.memory_space<semaphore_mem>>)
    %scan3A = arith.constant 0 : i32
    %scan3A_7 = arith.constant 0 : i32
    %scan3A_8 = arith.constant 80 : i32
    %scan3A_9 = arith.addi %scan3A_7, %scan3A_8 : i32
    %scan3A_10 = arith.constant 1 : i32
    scf.for %scan3A_575 = %scan3A_7 to %scan3A_9 step %scan3A_10  : i32 {
      %broadcast_in_dim3A = arith.constant 0.000000e+00 : f32
      %broadcast_in_dim3A_576 = vector.broadcast %broadcast_in_dim3A : f32 to vector<16xf32>
      %swap3A_577 = arith.index_cast %scan3A_575 : i32 to index
      %swap3A_578 = arith.constant 0 : index
      %swap3A_579 = tpu.vector_load %arg10[%swap3A_577, %swap3A_578] {strides = array<i32>} : memref<80x128xf32, #tpu.memory_space<vmem>>, vector<1x16xf32>,
      %swap3A_580 = vector.shape_cast %swap3A_579 : vector<1x16xf32> to vector<16xf32>
      %swap3A_581 = vector.shape_cast %broadcast_in_dim3A_576 : vector<16xf32> to vector<1x16xf32>
      tpu.vector_store %arg10[%swap3A_577, %swap3A_578], %swap3A_581 {strides = array<i32>} : memref<80x128xf32, #tpu.memory_space<vmem>>, vector<1x16xf32>,
      %broadcast_in_dim3A_582 = arith.constant 0.000000e+00 : f32
      %broadcast_in_dim3A_583 = vector.broadcast %broadcast_in_dim3A_582 : f32 to vector<16xf32>
      %swap3A_584 = arith.index_cast %scan3A_575 : i32 to index
      %swap3A_585 = arith.constant 16 : index
      %swap3A_586 = tpu.vector_load %arg10[%swap3A_584, %swap3A_585] {strides = array<i32>} : memref<80x128xf32, #tpu.memory_space<vmem>>, vector<1x16xf32>,
      %swap3A_587 = vector.shape_cast %swap3A_586 : vector<1x16xf32> to vector<16xf32>
      %swap3A_588 = vector.shape_cast %broadcast_in_dim3A_583 : vector<16xf32> to vector<1x16xf32>
      tpu.vector_store %arg10[%swap3A_584, %swap3A_585], %swap3A_588 {strides = array<i32>} : memref<80x128xf32, #tpu.memory_space<vmem>>, vector<1x16xf32>,
      %broadcast_in_dim3A_589 = arith.constant 0.000000e+00 : f32
      %broadcast_in_dim3A_590 = vector.broadcast %broadcast_in_dim3A_589 : f32 to vector<16xf32>
      %swap3A_591 = arith.index_cast %scan3A_575 : i32 to index
      %swap3A_592 = arith.constant 32 : index
      %swap3A_593 = tpu.vector_load %arg10[%swap3A_591, %swap3A_592] {strides = array<i32>} : memref<80x128xf32, #tpu.memory_space<vmem>>, vector<1x16xf32>,
      %swap3A_594 = vector.shape_cast %swap3A_593 : vector<1x16xf32> to vector<16xf32>
      %swap3A_595 = vector.shape_cast %broadcast_in_dim3A_590 : vector<16xf32> to vector<1x16xf32>
      tpu.vector_store %arg10[%swap3A_591, %swap3A_592], %swap3A_595 {strides = array<i32>} : memref<80x128xf32, #tpu.memory_space<vmem>>, vector<1x16xf32>,
      %broadcast_in_dim3A_596 = arith.constant 0.000000e+00 : f32
      %broadcast_in_dim3A_597 = vector.broadcast %broadcast_in_dim3A_596 : f32 to vector<16xf32>
      %swap3A_598 = arith.index_cast %scan3A_575 : i32 to index
      %swap3A_599 = arith.constant 48 : index
      %swap3A_600 = tpu.vector_load %arg10[%swap3A_598, %swap3A_599] {strides = array<i32>} : memref<80x128xf32, #tpu.memory_space<vmem>>, vector<1x16xf32>,
      %swap3A_601 = vector.shape_cast %swap3A_600 : vector<1x16xf32> to vector<16xf32>
      %swap3A_602 = vector.shape_cast %broadcast_in_dim3A_597 : vector<16xf32> to vector<1x16xf32>
      tpu.vector_store %arg10[%swap3A_598, %swap3A_599], %swap3A_602 {strides = array<i32>} : memref<80x128xf32, #tpu.memory_space<vmem>>, vector<1x16xf32>,
      %broadcast_in_dim3A_603 = arith.constant 0.000000e+00 : f32
      %broadcast_in_dim3A_604 = vector.broadcast %broadcast_in_dim3A_603 : f32 to vector<16xf32>
      %swap3A_605 = arith.index_cast %scan3A_575 : i32 to index
      %swap3A_606 = arith.constant 64 : index
      %swap3A_607 = tpu.vector_load %arg10[%swap3A_605, %swap3A_606] {strides = array<i32>} : memref<80x128xf32, #tpu.memory_space<vmem>>, vector<1x16xf32>,
      %swap3A_608 = vector.shape_cast %swap3A_607 : vector<1x16xf32> to vector<16xf32>
      %swap3A_609 = vector.shape_cast %broadcast_in_dim3A_604 : vector<16xf32> to vector<1x16xf32>
      tpu.vector_store %arg10[%swap3A_605, %swap3A_606], %swap3A_609 {strides = array<i32>} : memref<80x128xf32, #tpu.memory_space<vmem>>, vector<1x16xf32>,
      %broadcast_in_dim3A_610 = arith.constant 0.000000e+00 : f32
      %broadcast_in_dim3A_611 = vector.broadcast %broadcast_in_dim3A_610 : f32 to vector<16xf32>
      %swap3A_612 = arith.index_cast %scan3A_575 : i32 to index
      %swap3A_613 = arith.constant 80 : index
      %swap3A_614 = tpu.vector_load %arg10[%swap3A_612, %swap3A_613] {strides = array<i32>} : memref<80x128xf32, #tpu.memory_space<vmem>>, vector<1x16xf32>,
      %swap3A_615 = vector.shape_cast %swap3A_614 : vector<1x16xf32> to vector<16xf32>
      %swap3A_616 = vector.shape_cast %broadcast_in_dim3A_611 : vector<16xf32> to vector<1x16xf32>
      tpu.vector_store %arg10[%swap3A_612, %swap3A_613], %swap3A_616 {strides = array<i32>} : memref<80x128xf32, #tpu.memory_space<vmem>>, vector<1x16xf32>,
      %broadcast_in_dim3A_617 = arith.constant 0.000000e+00 : f32
      %broadcast_in_dim3A_618 = vector.broadcast %broadcast_in_dim3A_617 : f32 to vector<16xf32>
      %swap3A_619 = arith.index_cast %scan3A_575 : i32 to index
      %swap3A_620 = arith.constant 96 : index
      %swap3A_621 = tpu.vector_load %arg10[%swap3A_619, %swap3A_620] {strides = array<i32>} : memref<80x128xf32, #tpu.memory_space<vmem>>, vector<1x16xf32>,
      %swap3A_622 = vector.shape_cast %swap3A_621 : vector<1x16xf32> to vector<16xf32>
      %swap3A_623 = vector.shape_cast %broadcast_in_dim3A_618 : vector<16xf32> to vector<1x16xf32>
      tpu.vector_store %arg10[%swap3A_619, %swap3A_620], %swap3A_623 {strides = array<i32>} : memref<80x128xf32, #tpu.memory_space<vmem>>, vector<1x16xf32>,
      %broadcast_in_dim3A_624 = arith.constant 0.000000e+00 : f32
      %broadcast_in_dim3A_625 = vector.broadcast %broadcast_in_dim3A_624 : f32 to vector<16xf32>
      %swap3A_626 = arith.index_cast %scan3A_575 : i32 to index
      %swap3A_627 = arith.constant 112 : index
      %swap3A_628 = tpu.vector_load %arg10[%swap3A_626, %swap3A_627] {strides = array<i32>} : memref<80x128xf32, #tpu.memory_space<vmem>>, vector<1x16xf32>,
      %swap3A_629 = vector.shape_cast %swap3A_628 : vector<1x16xf32> to vector<16xf32>
      %swap3A_630 = vector.shape_cast %broadcast_in_dim3A_625 : vector<16xf32> to vector<1x16xf32>
      tpu.vector_store %arg10[%swap3A_626, %swap3A_627], %swap3A_630 {strides = array<i32>} : memref<80x128xf32, #tpu.memory_space<vmem>>, vector<1x16xf32>,
    }
    %scan3A_11 = arith.constant 80 : i32
    %mul3A = arith.constant 640 : i32
    %mul3A_12 = arith.muli %arg1, %mul3A : i32
    %add3A = arith.constant 0 : i32
    %add3A_13 = arith.addi %mul3A_12, %add3A : i32
    %dma_start3A_14 = arith.constant 0 : i32
    %dma_start3A_15 = tpu.memref_slice %arg12[%add3A_13, %dma_start3A_14] : memref<10240x128xf32, #tpu.memory_space<vmem_shared>> -> memref<80x128xf32, #tpu.memory_space<vmem_shared>>
    %dma_start3A_16 = arith.constant 0 : i32
    %dma_start3A_17 = tpu.memref_slice %arg12[%add3A_13, %dma_start3A_16] : memref<10240x128xf32, #tpu.memory_space<vmem_shared>> -> memref<80x128xf32, #tpu.memory_space<vmem_shared>>
    tpu.enqueue_dma source(%arg10 : memref<80x128xf32, #tpu.memory_space<vmem>>) target(%dma_start3A_17 : memref<80x128xf32, #tpu.memory_space<vmem_shared>>) target_semaphore(%arg15 : memref<!tpu.dma_semaphore, #tpu.memory_space<semaphore_mem>>)
    %mul3A_18 = arith.constant 640 : i32
    %mul3A_19 = arith.muli %arg1, %mul3A_18 : i32
    %add3A_20 = arith.constant 80 : i32
    %add3A_21 = arith.addi %mul3A_19, %add3A_20 : i32
    %dma_start3A_22 = arith.constant 0 : i32
    %dma_start3A_23 = tpu.memref_slice %arg12[%add3A_21, %dma_start3A_22] : memref<10240x128xf32, #tpu.memory_space<vmem_shared>> -> memref<80x128xf32, #tpu.memory_space<vmem_shared>>
    %dma_start3A_24 = arith.constant 0 : i32
    %dma_start3A_25 = tpu.memref_slice %arg12[%add3A_21, %dma_start3A_24] : memref<10240x128xf32, #tpu.memory_space<vmem_shared>> -> memref<80x128xf32, #tpu.memory_space<vmem_shared>>
    tpu.enqueue_dma source(%arg10 : memref<80x128xf32, #tpu.memory_space<vmem>>) target(%dma_start3A_25 : memref<80x128xf32, #tpu.memory_space<vmem_shared>>) target_semaphore(%arg15 : memref<!tpu.dma_semaphore, #tpu.memory_space<semaphore_mem>>)
    %mul3A_26 = arith.constant 640 : i32
    %mul3A_27 = arith.muli %arg1, %mul3A_26 : i32
    %add3A_28 = arith.constant 160 : i32
    %add3A_29 = arith.addi %mul3A_27, %add3A_28 : i32
    %dma_start3A_30 = arith.constant 0 : i32
    %dma_start3A_31 = tpu.memref_slice %arg12[%add3A_29, %dma_start3A_30] : memref<10240x128xf32, #tpu.memory_space<vmem_shared>> -> memref<80x128xf32, #tpu.memory_space<vmem_shared>>
    %dma_start3A_32 = arith.constant 0 : i32
    %dma_start3A_33 = tpu.memref_slice %arg12[%add3A_29, %dma_start3A_32] : memref<10240x128xf32, #tpu.memory_space<vmem_shared>> -> memref<80x128xf32, #tpu.memory_space<vmem_shared>>
    tpu.enqueue_dma source(%arg10 : memref<80x128xf32, #tpu.memory_space<vmem>>) target(%dma_start3A_33 : memref<80x128xf32, #tpu.memory_space<vmem_shared>>) target_semaphore(%arg15 : memref<!tpu.dma_semaphore, #tpu.memory_space<semaphore_mem>>)
    %mul3A_34 = arith.constant 640 : i32
    %mul3A_35 = arith.muli %arg1, %mul3A_34 : i32
    %add3A_36 = arith.constant 240 : i32
    %add3A_37 = arith.addi %mul3A_35, %add3A_36 : i32
    %dma_start3A_38 = arith.constant 0 : i32
    %dma_start3A_39 = tpu.memref_slice %arg12[%add3A_37, %dma_start3A_38] : memref<10240x128xf32, #tpu.memory_space<vmem_shared>> -> memref<80x128xf32, #tpu.memory_space<vmem_shared>>
    %dma_start3A_40 = arith.constant 0 : i32
    %dma_start3A_41 = tpu.memref_slice %arg12[%add3A_37, %dma_start3A_40] : memref<10240x128xf32, #tpu.memory_space<vmem_shared>> -> memref<80x128xf32, #tpu.memory_space<vmem_shared>>
    tpu.enqueue_dma source(%arg10 : memref<80x128xf32, #tpu.memory_space<vmem>>) target(%dma_start3A_41 : memref<80x128xf32, #tpu.memory_space<vmem_shared>>) target_semaphore(%arg15 : memref<!tpu.dma_semaphore, #tpu.memory_space<semaphore_mem>>)
    %mul3A_42 = arith.constant 640 : i32
    %mul3A_43 = arith.muli %arg1, %mul3A_42 : i32
    %add3A_44 = arith.constant 320 : i32
    %add3A_45 = arith.addi %mul3A_43, %add3A_44 : i32
    %dma_start3A_46 = arith.constant 0 : i32
    %dma_start3A_47 = tpu.memref_slice %arg12[%add3A_45, %dma_start3A_46] : memref<10240x128xf32, #tpu.memory_space<vmem_shared>> -> memref<80x128xf32, #tpu.memory_space<vmem_shared>>
    %dma_start3A_48 = arith.constant 0 : i32
    %dma_start3A_49 = tpu.memref_slice %arg12[%add3A_45, %dma_start3A_48] : memref<10240x128xf32, #tpu.memory_space<vmem_shared>> -> memref<80x128xf32, #tpu.memory_space<vmem_shared>>
    tpu.enqueue_dma source(%arg10 : memref<80x128xf32, #tpu.memory_space<vmem>>) target(%dma_start3A_49 : memref<80x128xf32, #tpu.memory_space<vmem_shared>>) target_semaphore(%arg15 : memref<!tpu.dma_semaphore, #tpu.memory_space<semaphore_mem>>)
    %mul3A_50 = arith.constant 640 : i32
    %mul3A_51 = arith.muli %arg1, %mul3A_50 : i32
    %add3A_52 = arith.constant 400 : i32
    %add3A_53 = arith.addi %mul3A_51, %add3A_52 : i32
    %dma_start3A_54 = arith.constant 0 : i32
    %dma_start3A_55 = tpu.memref_slice %arg12[%add3A_53, %dma_start3A_54] : memref<10240x128xf32, #tpu.memory_space<vmem_shared>> -> memref<80x128xf32, #tpu.memory_space<vmem_shared>>
    %dma_start3A_56 = arith.constant 0 : i32
    %dma_start3A_57 = tpu.memref_slice %arg12[%add3A_53, %dma_start3A_56] : memref<10240x128xf32, #tpu.memory_space<vmem_shared>> -> memref<80x128xf32, #tpu.memory_space<vmem_shared>>
    tpu.enqueue_dma source(%arg10 : memref<80x128xf32, #tpu.memory_space<vmem>>) target(%dma_start3A_57 : memref<80x128xf32, #tpu.memory_space<vmem_shared>>) target_semaphore(%arg15 : memref<!tpu.dma_semaphore, #tpu.memory_space<semaphore_mem>>)
    %mul3A_58 = arith.constant 640 : i32
    %mul3A_59 = arith.muli %arg1, %mul3A_58 : i32
    %add3A_60 = arith.constant 480 : i32
    %add3A_61 = arith.addi %mul3A_59, %add3A_60 : i32
    %dma_start3A_62 = arith.constant 0 : i32
    %dma_start3A_63 = tpu.memref_slice %arg12[%add3A_61, %dma_start3A_62] : memref<10240x128xf32, #tpu.memory_space<vmem_shared>> -> memref<80x128xf32, #tpu.memory_space<vmem_shared>>
    %dma_start3A_64 = arith.constant 0 : i32
    %dma_start3A_65 = tpu.memref_slice %arg12[%add3A_61, %dma_start3A_64] : memref<10240x128xf32, #tpu.memory_space<vmem_shared>> -> memref<80x128xf32, #tpu.memory_space<vmem_shared>>
    tpu.enqueue_dma source(%arg10 : memref<80x128xf32, #tpu.memory_space<vmem>>) target(%dma_start3A_65 : memref<80x128xf32, #tpu.memory_space<vmem_shared>>) target_semaphore(%arg15 : memref<!tpu.dma_semaphore, #tpu.memory_space<semaphore_mem>>)
    %mul3A_66 = arith.constant 640 : i32
    %mul3A_67 = arith.muli %arg1, %mul3A_66 : i32
    %add3A_68 = arith.constant 560 : i32
    %add3A_69 = arith.addi %mul3A_67, %add3A_68 : i32
    %dma_start3A_70 = arith.constant 0 : i32
    %dma_start3A_71 = tpu.memref_slice %arg12[%add3A_69, %dma_start3A_70] : memref<10240x128xf32, #tpu.memory_space<vmem_shared>> -> memref<80x128xf32, #tpu.memory_space<vmem_shared>>
    %dma_start3A_72 = arith.constant 0 : i32
    %dma_start3A_73 = tpu.memref_slice %arg12[%add3A_69, %dma_start3A_72] : memref<10240x128xf32, #tpu.memory_space<vmem_shared>> -> memref<80x128xf32, #tpu.memory_space<vmem_shared>>
    tpu.enqueue_dma source(%arg10 : memref<80x128xf32, #tpu.memory_space<vmem>>) target(%dma_start3A_73 : memref<80x128xf32, #tpu.memory_space<vmem_shared>>) target_semaphore(%arg15 : memref<!tpu.dma_semaphore, #tpu.memory_space<semaphore_mem>>)
    %mul3A_74 = arith.constant 640 : i32
    %mul3A_75 = arith.muli %arg1, %mul3A_74 : i32
    %add3A_76 = arith.constant 0 : i32
    %add3A_77 = arith.addi %mul3A_75, %add3A_76 : i32
    %dma_wait3A = arith.constant 0 : i32
    %dma_wait3A_78 = tpu.memref_slice %arg12[%add3A_77, %dma_wait3A] : memref<10240x128xf32, #tpu.memory_space<vmem_shared>> -> memref<80x128xf32, #tpu.memory_space<vmem_shared>>
    %dma_wait3A_79 = arith.constant 0 : i32
    %dma_wait3A_80 = tpu.memref_slice %arg12[%add3A_77, %dma_wait3A_79] : memref<10240x128xf32, #tpu.memory_space<vmem_shared>> -> memref<80x128xf32, #tpu.memory_space<vmem_shared>>
    tpu.wait_dma2 semaphore(%arg15 : memref<!tpu.dma_semaphore, #tpu.memory_space<semaphore_mem>>) src(%arg10 : memref<80x128xf32, #tpu.memory_space<vmem>>) dst(%dma_wait3A_80 : memref<80x128xf32, #tpu.memory_space<vmem_shared>>)
    %mul3A_81 = arith.constant 640 : i32
    %mul3A_82 = arith.muli %arg1, %mul3A_81 : i32
    %add3A_83 = arith.constant 80 : i32
    %add3A_84 = arith.addi %mul3A_82, %add3A_83 : i32
    %dma_wait3A_85 = arith.constant 0 : i32
    %dma_wait3A_86 = tpu.memref_slice %arg12[%add3A_84, %dma_wait3A_85] : memref<10240x128xf32, #tpu.memory_space<vmem_shared>> -> memref<80x128xf32, #tpu.memory_space<vmem_shared>>
    %dma_wait3A_87 = arith.constant 0 : i32
    %dma_wait3A_88 = tpu.memref_slice %arg12[%add3A_84, %dma_wait3A_87] : memref<10240x128xf32, #tpu.memory_space<vmem_shared>> -> memref<80x128xf32, #tpu.memory_space<vmem_shared>>
    tpu.wait_dma2 semaphore(%arg15 : memref<!tpu.dma_semaphore, #tpu.memory_space<semaphore_mem>>) src(%arg10 : memref<80x128xf32, #tpu.memory_space<vmem>>) dst(%dma_wait3A_88 : memref<80x128xf32, #tpu.memory_space<vmem_shared>>)
    %mul3A_89 = arith.constant 640 : i32
    %mul3A_90 = arith.muli %arg1, %mul3A_89 : i32
    %add3A_91 = arith.constant 160 : i32
    %add3A_92 = arith.addi %mul3A_90, %add3A_91 : i32
    %dma_wait3A_93 = arith.constant 0 : i32
    %dma_wait3A_94 = tpu.memref_slice %arg12[%add3A_92, %dma_wait3A_93] : memref<10240x128xf32, #tpu.memory_space<vmem_shared>> -> memref<80x128xf32, #tpu.memory_space<vmem_shared>>
    %dma_wait3A_95 = arith.constant 0 : i32
    %dma_wait3A_96 = tpu.memref_slice %arg12[%add3A_92, %dma_wait3A_95] : memref<10240x128xf32, #tpu.memory_space<vmem_shared>> -> memref<80x128xf32, #tpu.memory_space<vmem_shared>>
    tpu.wait_dma2 semaphore(%arg15 : memref<!tpu.dma_semaphore, #tpu.memory_space<semaphore_mem>>) src(%arg10 : memref<80x128xf32, #tpu.memory_space<vmem>>) dst(%dma_wait3A_96 : memref<80x128xf32, #tpu.memory_space<vmem_shared>>)
    %mul3A_97 = arith.constant 640 : i32
    %mul3A_98 = arith.muli %arg1, %mul3A_97 : i32
    %add3A_99 = arith.constant 240 : i32
    %add3A_100 = arith.addi %mul3A_98, %add3A_99 : i32
    %dma_wait3A_101 = arith.constant 0 : i32
    %dma_wait3A_102 = tpu.memref_slice %arg12[%add3A_100, %dma_wait3A_101] : memref<10240x128xf32, #tpu.memory_space<vmem_shared>> -> memref<80x128xf32, #tpu.memory_space<vmem_shared>>
    %dma_wait3A_103 = arith.constant 0 : i32
    %dma_wait3A_104 = tpu.memref_slice %arg12[%add3A_100, %dma_wait3A_103] : memref<10240x128xf32, #tpu.memory_space<vmem_shared>> -> memref<80x128xf32, #tpu.memory_space<vmem_shared>>
    tpu.wait_dma2 semaphore(%arg15 : memref<!tpu.dma_semaphore, #tpu.memory_space<semaphore_mem>>) src(%arg10 : memref<80x128xf32, #tpu.memory_space<vmem>>) dst(%dma_wait3A_104 : memref<80x128xf32, #tpu.memory_space<vmem_shared>>)
    %mul3A_105 = arith.constant 640 : i32
    %mul3A_106 = arith.muli %arg1, %mul3A_105 : i32
    %add3A_107 = arith.constant 320 : i32
    %add3A_108 = arith.addi %mul3A_106, %add3A_107 : i32
    %dma_wait3A_109 = arith.constant 0 : i32
    %dma_wait3A_110 = tpu.memref_slice %arg12[%add3A_108, %dma_wait3A_109] : memref<10240x128xf32, #tpu.memory_space<vmem_shared>> -> memref<80x128xf32, #tpu.memory_space<vmem_shared>>
    %dma_wait3A_111 = arith.constant 0 : i32
    %dma_wait3A_112 = tpu.memref_slice %arg12[%add3A_108, %dma_wait3A_111] : memref<10240x128xf32, #tpu.memory_space<vmem_shared>> -> memref<80x128xf32, #tpu.memory_space<vmem_shared>>
    tpu.wait_dma2 semaphore(%arg15 : memref<!tpu.dma_semaphore, #tpu.memory_space<semaphore_mem>>) src(%arg10 : memref<80x128xf32, #tpu.memory_space<vmem>>) dst(%dma_wait3A_112 : memref<80x128xf32, #tpu.memory_space<vmem_shared>>)
    %mul3A_113 = arith.constant 640 : i32
    %mul3A_114 = arith.muli %arg1, %mul3A_113 : i32
    %add3A_115 = arith.constant 400 : i32
    %add3A_116 = arith.addi %mul3A_114, %add3A_115 : i32
    %dma_wait3A_117 = arith.constant 0 : i32
    %dma_wait3A_118 = tpu.memref_slice %arg12[%add3A_116, %dma_wait3A_117] : memref<10240x128xf32, #tpu.memory_space<vmem_shared>> -> memref<80x128xf32, #tpu.memory_space<vmem_shared>>
    %dma_wait3A_119 = arith.constant 0 : i32
    %dma_wait3A_120 = tpu.memref_slice %arg12[%add3A_116, %dma_wait3A_119] : memref<10240x128xf32, #tpu.memory_space<vmem_shared>> -> memref<80x128xf32, #tpu.memory_space<vmem_shared>>
    tpu.wait_dma2 semaphore(%arg15 : memref<!tpu.dma_semaphore, #tpu.memory_space<semaphore_mem>>) src(%arg10 : memref<80x128xf32, #tpu.memory_space<vmem>>) dst(%dma_wait3A_120 : memref<80x128xf32, #tpu.memory_space<vmem_shared>>)
    %mul3A_121 = arith.constant 640 : i32
    %mul3A_122 = arith.muli %arg1, %mul3A_121 : i32
    %add3A_123 = arith.constant 480 : i32
    %add3A_124 = arith.addi %mul3A_122, %add3A_123 : i32
    %dma_wait3A_125 = arith.constant 0 : i32
    %dma_wait3A_126 = tpu.memref_slice %arg12[%add3A_124, %dma_wait3A_125] : memref<10240x128xf32, #tpu.memory_space<vmem_shared>> -> memref<80x128xf32, #tpu.memory_space<vmem_shared>>
    %dma_wait3A_127 = arith.constant 0 : i32
    %dma_wait3A_128 = tpu.memref_slice %arg12[%add3A_124, %dma_wait3A_127] : memref<10240x128xf32, #tpu.memory_space<vmem_shared>> -> memref<80x128xf32, #tpu.memory_space<vmem_shared>>
    tpu.wait_dma2 semaphore(%arg15 : memref<!tpu.dma_semaphore, #tpu.memory_space<semaphore_mem>>) src(%arg10 : memref<80x128xf32, #tpu.memory_space<vmem>>) dst(%dma_wait3A_128 : memref<80x128xf32, #tpu.memory_space<vmem_shared>>)
    %mul3A_129 = arith.constant 640 : i32
    %mul3A_130 = arith.muli %arg1, %mul3A_129 : i32
    %add3A_131 = arith.constant 560 : i32
    %add3A_132 = arith.addi %mul3A_130, %add3A_131 : i32
    %dma_wait3A_133 = arith.constant 0 : i32
    %dma_wait3A_134 = tpu.memref_slice %arg12[%add3A_132, %dma_wait3A_133] : memref<10240x128xf32, #tpu.memory_space<vmem_shared>> -> memref<80x128xf32, #tpu.memory_space<vmem_shared>>
    %dma_wait3A_135 = arith.constant 0 : i32
    %dma_wait3A_136 = tpu.memref_slice %arg12[%add3A_132, %dma_wait3A_135] : memref<10240x128xf32, #tpu.memory_space<vmem_shared>> -> memref<80x128xf32, #tpu.memory_space<vmem_shared>>
    tpu.wait_dma2 semaphore(%arg15 : memref<!tpu.dma_semaphore, #tpu.memory_space<semaphore_mem>>) src(%arg10 : memref<80x128xf32, #tpu.memory_space<vmem>>) dst(%dma_wait3A_136 : memref<80x128xf32, #tpu.memory_space<vmem_shared>>)
    %dma_wait3A_137 = arith.constant 0 : i32
    %dma_wait3A_138 = arith.constant 0 : i32
    %dma_wait3A_139 = tpu.memref_slice %arg3[%arg0, %arg1, %dma_wait3A_137, %dma_wait3A_138] : memref<2x16x126x80xi32, #tpu.memory_space<hbm>> -> memref<1x1x126x80xi32, #tpu.memory_space<hbm>>
    %dma_wait3A_140 = tpu.memref_squeeze %dma_wait3A_139 : memref<1x1x126x80xi32, #tpu.memory_space<hbm>> -> memref<126x80xi32, #tpu.memory_space<hbm>>
    %dma_wait3A_141 = arith.constant 0 : i32
    %dma_wait3A_142 = arith.constant 0 : i32
    %dma_wait3A_143 = tpu.memref_slice %arg3[%arg0, %arg1, %dma_wait3A_141, %dma_wait3A_142] : memref<2x16x126x80xi32, #tpu.memory_space<hbm>> -> memref<1x1x126x80xi32, #tpu.memory_space<hbm>>
    %dma_wait3A_144 = tpu.memref_squeeze %dma_wait3A_143 : memref<1x1x126x80xi32, #tpu.memory_space<hbm>> -> memref<126x80xi32, #tpu.memory_space<hbm>>
    tpu.wait_dma2 semaphore(%arg13 : memref<!tpu.dma_semaphore, #tpu.memory_space<semaphore_mem>>) src(%dma_wait3A_144 : memref<126x80xi32, #tpu.memory_space<hbm>>) dst(%arg5 : memref<126x80xi32, #tpu.memory_space<vmem>>)
    %barrier3A = arith.constant 0 : index
    tpu.barrier barrier_id(%barrier3A)
    %get3A = arith.constant 0 : i32
    %get3A_145 = arith.index_cast %get3A : i32 to index
    %get3A_146 = arith.constant 0 : index
    %get3A_147 = tpu.vector_load %arg5[%get3A_145, %get3A_146] {strides = array<i32>} : memref<126x80xi32, #tpu.memory_space<vmem>>, vector<1x16xi32>,
    %get3A_148 = vector.shape_cast %get3A_147 : vector<1x16xi32> to vector<16xi32>
    %shift_right_logical3A = arith.constant 15 : i32
    %shift_right_logical3A_149 = vector.broadcast %shift_right_logical3A : i32 to vector<16xi32>
    %shift_right_logical3A_150 = arith.shrui %get3A_148, %shift_right_logical3A_149 : vector<16xi32>
    %swap3A = arith.constant 0 : i32
    %swap3A_151 = arith.index_cast %swap3A : i32 to index
    %swap3A_152 = arith.constant 0 : index
    %swap3A_153 = tpu.vector_load %arg6[%swap3A_151, %swap3A_152] {strides = array<i32>} : memref<8x80xi32, #tpu.memory_space<vmem>>, vector<1x16xi32>,
    %swap3A_154 = vector.shape_cast %swap3A_153 : vector<1x16xi32> to vector<16xi32>
    %swap3A_155 = vector.shape_cast %shift_right_logical3A_150 : vector<16xi32> to vector<1x16xi32>
    tpu.vector_store %arg6[%swap3A_151, %swap3A_152], %swap3A_155 {strides = array<i32>} : memref<8x80xi32, #tpu.memory_space<vmem>>, vector<1x16xi32>,
    %and3A = arith.constant 32767 : i32
    %and3A_156 = vector.broadcast %and3A : i32 to vector<16xi32>
    %and3A_157 = arith.andi %get3A_148, %and3A_156 : vector<16xi32>
    %swap3A_158 = arith.constant 0 : i32
    %swap3A_159 = arith.index_cast %swap3A_158 : i32 to index
    %swap3A_160 = arith.constant 0 : index
    %swap3A_161 = tpu.vector_load %arg7[%swap3A_159, %swap3A_160] {strides = array<i32>} : memref<8x80xi32, #tpu.memory_space<vmem>>, vector<1x16xi32>,
    %swap3A_162 = vector.shape_cast %swap3A_161 : vector<1x16xi32> to vector<16xi32>
    %swap3A_163 = vector.shape_cast %and3A_157 : vector<16xi32> to vector<1x16xi32>
    tpu.vector_store %arg7[%swap3A_159, %swap3A_160], %swap3A_163 {strides = array<i32>} : memref<8x80xi32, #tpu.memory_space<vmem>>, vector<1x16xi32>,
    %get3A_164 = arith.constant 0 : i32
    %get3A_165 = arith.index_cast %get3A_164 : i32 to index
    %get3A_166 = arith.constant 16 : index
    %get3A_167 = tpu.vector_load %arg5[%get3A_165, %get3A_166] {strides = array<i32>} : memref<126x80xi32, #tpu.memory_space<vmem>>, vector<1x16xi32>,
    %get3A_168 = vector.shape_cast %get3A_167 : vector<1x16xi32> to vector<16xi32>
    %shift_right_logical3A_169 = arith.constant 15 : i32
    %shift_right_logical3A_170 = vector.broadcast %shift_right_logical3A_169 : i32 to vector<16xi32>
    %shift_right_logical3A_171 = arith.shrui %get3A_168, %shift_right_logical3A_170 : vector<16xi32>
    %swap3A_172 = arith.constant 0 : i32
    %swap3A_173 = arith.index_cast %swap3A_172 : i32 to index
    %swap3A_174 = arith.constant 16 : index
    %swap3A_175 = tpu.vector_load %arg6[%swap3A_173, %swap3A_174] {strides = array<i32>} : memref<8x80xi32, #tpu.memory_space<vmem>>, vector<1x16xi32>,
    %swap3A_176 = vector.shape_cast %swap3A_175 : vector<1x16xi32> to vector<16xi32>
    %swap3A_177 = vector.shape_cast %shift_right_logical3A_171 : vector<16xi32> to vector<1x16xi32>
    tpu.vector_store %arg6[%swap3A_173, %swap3A_174], %swap3A_177 {strides = array<i32>} : memref<8x80xi32, #tpu.memory_space<vmem>>, vector<1x16xi32>,
    %and3A_178 = arith.constant 32767 : i32
    %and3A_179 = vector.broadcast %and3A_178 : i32 to vector<16xi32>
    %and3A_180 = arith.andi %get3A_168, %and3A_179 : vector<16xi32>
    %swap3A_181 = arith.constant 0 : i32
    %swap3A_182 = arith.index_cast %swap3A_181 : i32 to index
    %swap3A_183 = arith.constant 16 : index
    %swap3A_184 = tpu.vector_load %arg7[%swap3A_182, %swap3A_183] {strides = array<i32>} : memref<8x80xi32, #tpu.memory_space<vmem>>, vector<1x16xi32>,
    %swap3A_185 = vector.shape_cast %swap3A_184 : vector<1x16xi32> to vector<16xi32>
    %swap3A_186 = vector.shape_cast %and3A_180 : vector<16xi32> to vector<1x16xi32>
    tpu.vector_store %arg7[%swap3A_182, %swap3A_183], %swap3A_186 {strides = array<i32>} : memref<8x80xi32, #tpu.memory_space<vmem>>, vector<1x16xi32>,
    %get3A_187 = arith.constant 0 : i32
    %get3A_188 = arith.index_cast %get3A_187 : i32 to index
    %get3A_189 = arith.constant 32 : index
    %get3A_190 = tpu.vector_load %arg5[%get3A_188, %get3A_189] {strides = array<i32>} : memref<126x80xi32, #tpu.memory_space<vmem>>, vector<1x16xi32>,
    %get3A_191 = vector.shape_cast %get3A_190 : vector<1x16xi32> to vector<16xi32>
    %shift_right_logical3A_192 = arith.constant 15 : i32
    %shift_right_logical3A_193 = vector.broadcast %shift_right_logical3A_192 : i32 to vector<16xi32>
    %shift_right_logical3A_194 = arith.shrui %get3A_191, %shift_right_logical3A_193 : vector<16xi32>
    %swap3A_195 = arith.constant 0 : i32
    %swap3A_196 = arith.index_cast %swap3A_195 : i32 to index
    %swap3A_197 = arith.constant 32 : index
    %swap3A_198 = tpu.vector_load %arg6[%swap3A_196, %swap3A_197] {strides = array<i32>} : memref<8x80xi32, #tpu.memory_space<vmem>>, vector<1x16xi32>,
    %swap3A_199 = vector.shape_cast %swap3A_198 : vector<1x16xi32> to vector<16xi32>
    %swap3A_200 = vector.shape_cast %shift_right_logical3A_194 : vector<16xi32> to vector<1x16xi32>
    tpu.vector_store %arg6[%swap3A_196, %swap3A_197], %swap3A_200 {strides = array<i32>} : memref<8x80xi32, #tpu.memory_space<vmem>>, vector<1x16xi32>,
    %and3A_201 = arith.constant 32767 : i32
    %and3A_202 = vector.broadcast %and3A_201 : i32 to vector<16xi32>
    %and3A_203 = arith.andi %get3A_191, %and3A_202 : vector<16xi32>
    %swap3A_204 = arith.constant 0 : i32
    %swap3A_205 = arith.index_cast %swap3A_204 : i32 to index
    %swap3A_206 = arith.constant 32 : index
    %swap3A_207 = tpu.vector_load %arg7[%swap3A_205, %swap3A_206] {strides = array<i32>} : memref<8x80xi32, #tpu.memory_space<vmem>>, vector<1x16xi32>,
    %swap3A_208 = vector.shape_cast %swap3A_207 : vector<1x16xi32> to vector<16xi32>
    %swap3A_209 = vector.shape_cast %and3A_203 : vector<16xi32> to vector<1x16xi32>
    tpu.vector_store %arg7[%swap3A_205, %swap3A_206], %swap3A_209 {strides = array<i32>} : memref<8x80xi32, #tpu.memory_space<vmem>>, vector<1x16xi32>,
    %get3A_210 = arith.constant 0 : i32
    %get3A_211 = arith.index_cast %get3A_210 : i32 to index
    %get3A_212 = arith.constant 48 : index
    %get3A_213 = tpu.vector_load %arg5[%get3A_211, %get3A_212] {strides = array<i32>} : memref<126x80xi32, #tpu.memory_space<vmem>>, vector<1x16xi32>,
    %get3A_214 = vector.shape_cast %get3A_213 : vector<1x16xi32> to vector<16xi32>
    %shift_right_logical3A_215 = arith.constant 15 : i32
    %shift_right_logical3A_216 = vector.broadcast %shift_right_logical3A_215 : i32 to vector<16xi32>
    %shift_right_logical3A_217 = arith.shrui %get3A_214, %shift_right_logical3A_216 : vector<16xi32>
    %swap3A_218 = arith.constant 0 : i32
    %swap3A_219 = arith.index_cast %swap3A_218 : i32 to index
    %swap3A_220 = arith.constant 48 : index
    %swap3A_221 = tpu.vector_load %arg6[%swap3A_219, %swap3A_220] {strides = array<i32>} : memref<8x80xi32, #tpu.memory_space<vmem>>, vector<1x16xi32>,
    %swap3A_222 = vector.shape_cast %swap3A_221 : vector<1x16xi32> to vector<16xi32>
    %swap3A_223 = vector.shape_cast %shift_right_logical3A_217 : vector<16xi32> to vector<1x16xi32>
    tpu.vector_store %arg6[%swap3A_219, %swap3A_220], %swap3A_223 {strides = array<i32>} : memref<8x80xi32, #tpu.memory_space<vmem>>, vector<1x16xi32>,
    %and3A_224 = arith.constant 32767 : i32
    %and3A_225 = vector.broadcast %and3A_224 : i32 to vector<16xi32>
    %and3A_226 = arith.andi %get3A_214, %and3A_225 : vector<16xi32>
    %swap3A_227 = arith.constant 0 : i32
    %swap3A_228 = arith.index_cast %swap3A_227 : i32 to index
    %swap3A_229 = arith.constant 48 : index
    %swap3A_230 = tpu.vector_load %arg7[%swap3A_228, %swap3A_229] {strides = array<i32>} : memref<8x80xi32, #tpu.memory_space<vmem>>, vector<1x16xi32>,
    %swap3A_231 = vector.shape_cast %swap3A_230 : vector<1x16xi32> to vector<16xi32>
    %swap3A_232 = vector.shape_cast %and3A_226 : vector<16xi32> to vector<1x16xi32>
    tpu.vector_store %arg7[%swap3A_228, %swap3A_229], %swap3A_232 {strides = array<i32>} : memref<8x80xi32, #tpu.memory_space<vmem>>, vector<1x16xi32>,
    %get3A_233 = arith.constant 0 : i32
    %get3A_234 = arith.index_cast %get3A_233 : i32 to index
    %get3A_235 = arith.constant 64 : index
    %get3A_236 = tpu.vector_load %arg5[%get3A_234, %get3A_235] {strides = array<i32>} : memref<126x80xi32, #tpu.memory_space<vmem>>, vector<1x16xi32>,
    %get3A_237 = vector.shape_cast %get3A_236 : vector<1x16xi32> to vector<16xi32>
    %shift_right_logical3A_238 = arith.constant 15 : i32
    %shift_right_logical3A_239 = vector.broadcast %shift_right_logical3A_238 : i32 to vector<16xi32>
    %shift_right_logical3A_240 = arith.shrui %get3A_237, %shift_right_logical3A_239 : vector<16xi32>
    %swap3A_241 = arith.constant 0 : i32
    %swap3A_242 = arith.index_cast %swap3A_241 : i32 to index
    %swap3A_243 = arith.constant 64 : index
    %swap3A_244 = tpu.vector_load %arg6[%swap3A_242, %swap3A_243] {strides = array<i32>} : memref<8x80xi32, #tpu.memory_space<vmem>>, vector<1x16xi32>,
    %swap3A_245 = vector.shape_cast %swap3A_244 : vector<1x16xi32> to vector<16xi32>
    %swap3A_246 = vector.shape_cast %shift_right_logical3A_240 : vector<16xi32> to vector<1x16xi32>
    tpu.vector_store %arg6[%swap3A_242, %swap3A_243], %swap3A_246 {strides = array<i32>} : memref<8x80xi32, #tpu.memory_space<vmem>>, vector<1x16xi32>,
    %and3A_247 = arith.constant 32767 : i32
    %and3A_248 = vector.broadcast %and3A_247 : i32 to vector<16xi32>
    %and3A_249 = arith.andi %get3A_237, %and3A_248 : vector<16xi32>
    %swap3A_250 = arith.constant 0 : i32
    %swap3A_251 = arith.index_cast %swap3A_250 : i32 to index
    %swap3A_252 = arith.constant 64 : index
    %swap3A_253 = tpu.vector_load %arg7[%swap3A_251, %swap3A_252] {strides = array<i32>} : memref<8x80xi32, #tpu.memory_space<vmem>>, vector<1x16xi32>,
    %swap3A_254 = vector.shape_cast %swap3A_253 : vector<1x16xi32> to vector<16xi32>
    %swap3A_255 = vector.shape_cast %and3A_249 : vector<16xi32> to vector<1x16xi32>
    tpu.vector_store %arg7[%swap3A_251, %swap3A_252], %swap3A_255 {strides = array<i32>} : memref<8x80xi32, #tpu.memory_space<vmem>>, vector<1x16xi32>,
    %dma_start3A_256 = arith.constant 0 : i32
    %dma_start3A_257 = arith.constant 0 : i32
    %dma_start3A_258 = tpu.memref_slice %arg7[%dma_start3A_256, %dma_start3A_257] : memref<8x80xi32, #tpu.memory_space<vmem>> -> memref<1x80xi32, #tpu.memory_space<vmem>>
    %dma_start3A_259 = tpu.memref_squeeze %dma_start3A_258 : memref<1x80xi32, #tpu.memory_space<vmem>> -> memref<80xi32, #tpu.memory_space<vmem>>
    %dma_start3A_260 = arith.constant 0 : i32
    %dma_start3A_261 = arith.constant 0 : i32
    %dma_start3A_262 = tpu.memref_slice %arg2[%dma_start3A_260, %dma_start3A_261] : memref<20000x128xf32, #tpu.memory_space<hbm>> -> memref<20000x128xf32, #tpu.memory_space<hbm>>
    tpu.enqueue_indirect_dma source(%dma_start3A_262 : memref<20000x128xf32, #tpu.memory_space<hbm>>) target(%arg10 : memref<80x128xf32, #tpu.memory_space<vmem>>) offsets(%dma_start3A_259 : memref<80xi32, #tpu.memory_space<vmem>>) semaphore(%arg13 : memref<!tpu.dma_semaphore, #tpu.memory_space<semaphore_mem>>)
    %get3A_263 = arith.constant 1 : i32
    %get3A_264 = arith.index_cast %get3A_263 : i32 to index
    %get3A_265 = arith.constant 0 : index
    %get3A_266 = tpu.vector_load %arg5[%get3A_264, %get3A_265] {strides = array<i32>} : memref<126x80xi32, #tpu.memory_space<vmem>>, vector<1x16xi32>,
    %get3A_267 = vector.shape_cast %get3A_266 : vector<1x16xi32> to vector<16xi32>
    %shift_right_logical3A_268 = arith.constant 15 : i32
    %shift_right_logical3A_269 = vector.broadcast %shift_right_logical3A_268 : i32 to vector<16xi32>
    %shift_right_logical3A_270 = arith.shrui %get3A_267, %shift_right_logical3A_269 : vector<16xi32>
    %swap3A_271 = arith.constant 0 : i32
    %swap3A_272 = arith.index_cast %swap3A_271 : i32 to index
    %swap3A_273 = arith.constant 0 : index
    %swap3A_274 = tpu.vector_load %arg8[%swap3A_272, %swap3A_273] {strides = array<i32>} : memref<8x80xi32, #tpu.memory_space<vmem>>, vector<1x16xi32>,
    %swap3A_275 = vector.shape_cast %swap3A_274 : vector<1x16xi32> to vector<16xi32>
    %swap3A_276 = vector.shape_cast %shift_right_logical3A_270 : vector<16xi32> to vector<1x16xi32>
    tpu.vector_store %arg8[%swap3A_272, %swap3A_273], %swap3A_276 {strides = array<i32>} : memref<8x80xi32, #tpu.memory_space<vmem>>, vector<1x16xi32>,
    %and3A_277 = arith.constant 32767 : i32
    %and3A_278 = vector.broadcast %and3A_277 : i32 to vector<16xi32>
    %and3A_279 = arith.andi %get3A_267, %and3A_278 : vector<16xi32>
    %swap3A_280 = arith.constant 0 : i32
    %swap3A_281 = arith.index_cast %swap3A_280 : i32 to index
    %swap3A_282 = arith.constant 0 : index
    %swap3A_283 = tpu.vector_load %arg9[%swap3A_281, %swap3A_282] {strides = array<i32>} : memref<8x80xi32, #tpu.memory_space<vmem>>, vector<1x16xi32>,
    %swap3A_284 = vector.shape_cast %swap3A_283 : vector<1x16xi32> to vector<16xi32>
    %swap3A_285 = vector.shape_cast %and3A_279 : vector<16xi32> to vector<1x16xi32>
    tpu.vector_store %arg9[%swap3A_281, %swap3A_282], %swap3A_285 {strides = array<i32>} : memref<8x80xi32, #tpu.memory_space<vmem>>, vector<1x16xi32>,
    %get3A_286 = arith.constant 1 : i32
    %get3A_287 = arith.index_cast %get3A_286 : i32 to index
    %get3A_288 = arith.constant 16 : index
    %get3A_289 = tpu.vector_load %arg5[%get3A_287, %get3A_288] {strides = array<i32>} : memref<126x80xi32, #tpu.memory_space<vmem>>, vector<1x16xi32>,
    %get3A_290 = vector.shape_cast %get3A_289 : vector<1x16xi32> to vector<16xi32>
    %shift_right_logical3A_291 = arith.constant 15 : i32
    %shift_right_logical3A_292 = vector.broadcast %shift_right_logical3A_291 : i32 to vector<16xi32>
    %shift_right_logical3A_293 = arith.shrui %get3A_290, %shift_right_logical3A_292 : vector<16xi32>
    %swap3A_294 = arith.constant 0 : i32
    %swap3A_295 = arith.index_cast %swap3A_294 : i32 to index
    %swap3A_296 = arith.constant 16 : index
    %swap3A_297 = tpu.vector_load %arg8[%swap3A_295, %swap3A_296] {strides = array<i32>} : memref<8x80xi32, #tpu.memory_space<vmem>>, vector<1x16xi32>,
    %swap3A_298 = vector.shape_cast %swap3A_297 : vector<1x16xi32> to vector<16xi32>
    %swap3A_299 = vector.shape_cast %shift_right_logical3A_293 : vector<16xi32> to vector<1x16xi32>
    tpu.vector_store %arg8[%swap3A_295, %swap3A_296], %swap3A_299 {strides = array<i32>} : memref<8x80xi32, #tpu.memory_space<vmem>>, vector<1x16xi32>,
    %and3A_300 = arith.constant 32767 : i32
    %and3A_301 = vector.broadcast %and3A_300 : i32 to vector<16xi32>
    %and3A_302 = arith.andi %get3A_290, %and3A_301 : vector<16xi32>
    %swap3A_303 = arith.constant 0 : i32
    %swap3A_304 = arith.index_cast %swap3A_303 : i32 to index
    %swap3A_305 = arith.constant 16 : index
    %swap3A_306 = tpu.vector_load %arg9[%swap3A_304, %swap3A_305] {strides = array<i32>} : memref<8x80xi32, #tpu.memory_space<vmem>>, vector<1x16xi32>,
    %swap3A_307 = vector.shape_cast %swap3A_306 : vector<1x16xi32> to vector<16xi32>
    %swap3A_308 = vector.shape_cast %and3A_302 : vector<16xi32> to vector<1x16xi32>
    tpu.vector_store %arg9[%swap3A_304, %swap3A_305], %swap3A_308 {strides = array<i32>} : memref<8x80xi32, #tpu.memory_space<vmem>>, vector<1x16xi32>,
    %get3A_309 = arith.constant 1 : i32
    %get3A_310 = arith.index_cast %get3A_309 : i32 to index
    %get3A_311 = arith.constant 32 : index
    %get3A_312 = tpu.vector_load %arg5[%get3A_310, %get3A_311] {strides = array<i32>} : memref<126x80xi32, #tpu.memory_space<vmem>>, vector<1x16xi32>,
    %get3A_313 = vector.shape_cast %get3A_312 : vector<1x16xi32> to vector<16xi32>
    %shift_right_logical3A_314 = arith.constant 15 : i32
    %shift_right_logical3A_315 = vector.broadcast %shift_right_logical3A_314 : i32 to vector<16xi32>
    %shift_right_logical3A_316 = arith.shrui %get3A_313, %shift_right_logical3A_315 : vector<16xi32>
    %swap3A_317 = arith.constant 0 : i32
    %swap3A_318 = arith.index_cast %swap3A_317 : i32 to index
    %swap3A_319 = arith.constant 32 : index
    %swap3A_320 = tpu.vector_load %arg8[%swap3A_318, %swap3A_319] {strides = array<i32>} : memref<8x80xi32, #tpu.memory_space<vmem>>, vector<1x16xi32>,
    %swap3A_321 = vector.shape_cast %swap3A_320 : vector<1x16xi32> to vector<16xi32>
    %swap3A_322 = vector.shape_cast %shift_right_logical3A_316 : vector<16xi32> to vector<1x16xi32>
    tpu.vector_store %arg8[%swap3A_318, %swap3A_319], %swap3A_322 {strides = array<i32>} : memref<8x80xi32, #tpu.memory_space<vmem>>, vector<1x16xi32>,
    %and3A_323 = arith.constant 32767 : i32
    %and3A_324 = vector.broadcast %and3A_323 : i32 to vector<16xi32>
    %and3A_325 = arith.andi %get3A_313, %and3A_324 : vector<16xi32>
    %swap3A_326 = arith.constant 0 : i32
    %swap3A_327 = arith.index_cast %swap3A_326 : i32 to index
    %swap3A_328 = arith.constant 32 : index
    %swap3A_329 = tpu.vector_load %arg9[%swap3A_327, %swap3A_328] {strides = array<i32>} : memref<8x80xi32, #tpu.memory_space<vmem>>, vector<1x16xi32>,
    %swap3A_330 = vector.shape_cast %swap3A_329 : vector<1x16xi32> to vector<16xi32>
    %swap3A_331 = vector.shape_cast %and3A_325 : vector<16xi32> to vector<1x16xi32>
    tpu.vector_store %arg9[%swap3A_327, %swap3A_328], %swap3A_331 {strides = array<i32>} : memref<8x80xi32, #tpu.memory_space<vmem>>, vector<1x16xi32>,
    %get3A_332 = arith.constant 1 : i32
    %get3A_333 = arith.index_cast %get3A_332 : i32 to index
    %get3A_334 = arith.constant 48 : index
    %get3A_335 = tpu.vector_load %arg5[%get3A_333, %get3A_334] {strides = array<i32>} : memref<126x80xi32, #tpu.memory_space<vmem>>, vector<1x16xi32>,
    %get3A_336 = vector.shape_cast %get3A_335 : vector<1x16xi32> to vector<16xi32>
    %shift_right_logical3A_337 = arith.constant 15 : i32
    %shift_right_logical3A_338 = vector.broadcast %shift_right_logical3A_337 : i32 to vector<16xi32>
    %shift_right_logical3A_339 = arith.shrui %get3A_336, %shift_right_logical3A_338 : vector<16xi32>
    %swap3A_340 = arith.constant 0 : i32
    %swap3A_341 = arith.index_cast %swap3A_340 : i32 to index
    %swap3A_342 = arith.constant 48 : index
    %swap3A_343 = tpu.vector_load %arg8[%swap3A_341, %swap3A_342] {strides = array<i32>} : memref<8x80xi32, #tpu.memory_space<vmem>>, vector<1x16xi32>,
    %swap3A_344 = vector.shape_cast %swap3A_343 : vector<1x16xi32> to vector<16xi32>
    %swap3A_345 = vector.shape_cast %shift_right_logical3A_339 : vector<16xi32> to vector<1x16xi32>
    tpu.vector_store %arg8[%swap3A_341, %swap3A_342], %swap3A_345 {strides = array<i32>} : memref<8x80xi32, #tpu.memory_space<vmem>>, vector<1x16xi32>,
    %and3A_346 = arith.constant 32767 : i32
    %and3A_347 = vector.broadcast %and3A_346 : i32 to vector<16xi32>
    %and3A_348 = arith.andi %get3A_336, %and3A_347 : vector<16xi32>
    %swap3A_349 = arith.constant 0 : i32
    %swap3A_350 = arith.index_cast %swap3A_349 : i32 to index
    %swap3A_351 = arith.constant 48 : index
    %swap3A_352 = tpu.vector_load %arg9[%swap3A_350, %swap3A_351] {strides = array<i32>} : memref<8x80xi32, #tpu.memory_space<vmem>>, vector<1x16xi32>,
    %swap3A_353 = vector.shape_cast %swap3A_352 : vector<1x16xi32> to vector<16xi32>
    %swap3A_354 = vector.shape_cast %and3A_348 : vector<16xi32> to vector<1x16xi32>
    tpu.vector_store %arg9[%swap3A_350, %swap3A_351], %swap3A_354 {strides = array<i32>} : memref<8x80xi32, #tpu.memory_space<vmem>>, vector<1x16xi32>,
    %get3A_355 = arith.constant 1 : i32
    %get3A_356 = arith.index_cast %get3A_355 : i32 to index
    %get3A_357 = arith.constant 64 : index
    %get3A_358 = tpu.vector_load %arg5[%get3A_356, %get3A_357] {strides = array<i32>} : memref<126x80xi32, #tpu.memory_space<vmem>>, vector<1x16xi32>,
    %get3A_359 = vector.shape_cast %get3A_358 : vector<1x16xi32> to vector<16xi32>
    %shift_right_logical3A_360 = arith.constant 15 : i32
    %shift_right_logical3A_361 = vector.broadcast %shift_right_logical3A_360 : i32 to vector<16xi32>
    %shift_right_logical3A_362 = arith.shrui %get3A_359, %shift_right_logical3A_361 : vector<16xi32>
    %swap3A_363 = arith.constant 0 : i32
    %swap3A_364 = arith.index_cast %swap3A_363 : i32 to index
    %swap3A_365 = arith.constant 64 : index
    %swap3A_366 = tpu.vector_load %arg8[%swap3A_364, %swap3A_365] {strides = array<i32>} : memref<8x80xi32, #tpu.memory_space<vmem>>, vector<1x16xi32>,
    %swap3A_367 = vector.shape_cast %swap3A_366 : vector<1x16xi32> to vector<16xi32>
    %swap3A_368 = vector.shape_cast %shift_right_logical3A_362 : vector<16xi32> to vector<1x16xi32>
    tpu.vector_store %arg8[%swap3A_364, %swap3A_365], %swap3A_368 {strides = array<i32>} : memref<8x80xi32, #tpu.memory_space<vmem>>, vector<1x16xi32>,
    %and3A_369 = arith.constant 32767 : i32
    %and3A_370 = vector.broadcast %and3A_369 : i32 to vector<16xi32>
    %and3A_371 = arith.andi %get3A_359, %and3A_370 : vector<16xi32>
    %swap3A_372 = arith.constant 0 : i32
    %swap3A_373 = arith.index_cast %swap3A_372 : i32 to index
    %swap3A_374 = arith.constant 64 : index
    %swap3A_375 = tpu.vector_load %arg9[%swap3A_373, %swap3A_374] {strides = array<i32>} : memref<8x80xi32, #tpu.memory_space<vmem>>, vector<1x16xi32>,
    %swap3A_376 = vector.shape_cast %swap3A_375 : vector<1x16xi32> to vector<16xi32>
    %swap3A_377 = vector.shape_cast %and3A_371 : vector<16xi32> to vector<1x16xi32>
    tpu.vector_store %arg9[%swap3A_373, %swap3A_374], %swap3A_377 {strides = array<i32>} : memref<8x80xi32, #tpu.memory_space<vmem>>, vector<1x16xi32>,
    %dma_start3A_378 = arith.constant 0 : i32
    %dma_start3A_379 = arith.constant 0 : i32
    %dma_start3A_380 = tpu.memref_slice %arg9[%dma_start3A_378, %dma_start3A_379] : memref<8x80xi32, #tpu.memory_space<vmem>> -> memref<1x80xi32, #tpu.memory_space<vmem>>
    %dma_start3A_381 = tpu.memref_squeeze %dma_start3A_380 : memref<1x80xi32, #tpu.memory_space<vmem>> -> memref<80xi32, #tpu.memory_space<vmem>>
    %dma_start3A_382 = arith.constant 0 : i32
    %dma_start3A_383 = arith.constant 0 : i32
    %dma_start3A_384 = tpu.memref_slice %arg2[%dma_start3A_382, %dma_start3A_383] : memref<20000x128xf32, #tpu.memory_space<hbm>> -> memref<20000x128xf32, #tpu.memory_space<hbm>>
    tpu.enqueue_indirect_dma source(%dma_start3A_384 : memref<20000x128xf32, #tpu.memory_space<hbm>>) target(%arg11 : memref<80x128xf32, #tpu.memory_space<vmem>>) offsets(%dma_start3A_381 : memref<80xi32, #tpu.memory_space<vmem>>) semaphore(%arg14 : memref<!tpu.dma_semaphore, #tpu.memory_space<semaphore_mem>>)
    %scan3A_385 = arith.constant 0 : i32
    %scan3A_386 = arith.constant 62 : i32
    %scan3A_387 = arith.addi %scan3A_385, %scan3A_386 : i32
    %scan3A_388 = arith.constant 1 : i32
    scf.for %scan3A_575 = %scan3A_385 to %scan3A_387 step %scan3A_388  : i32 {
      %mul3A_576 = arith.constant 2 : i32
      %mul3A_577 = arith.muli %scan3A_575, %mul3A_576 : i32
      %add3A_578 = arith.constant 0 : i32
      %add3A_579 = arith.addi %add3A_578, %mul3A_577 : i32
      %dma_wait3A_580 = arith.constant 0 : i32
      %dma_wait3A_581 = arith.constant 0 : i32
      %dma_wait3A_582 = tpu.memref_slice %arg7[%dma_wait3A_580, %dma_wait3A_581] : memref<8x80xi32, #tpu.memory_space<vmem>> -> memref<1x80xi32, #tpu.memory_space<vmem>>
      %dma_wait3A_583 = tpu.memref_squeeze %dma_wait3A_582 : memref<1x80xi32, #tpu.memory_space<vmem>> -> memref<80xi32, #tpu.memory_space<vmem>>
      %dma_wait3A_584 = arith.constant 0 : i32
      %dma_wait3A_585 = arith.constant 0 : i32
      %dma_wait3A_586 = tpu.memref_slice %arg2[%dma_wait3A_584, %dma_wait3A_585] : memref<20000x128xf32, #tpu.memory_space<hbm>> -> memref<20000x128xf32, #tpu.memory_space<hbm>>
      tpu.wait_indirect_dma semaphore(%arg13 : memref<!tpu.dma_semaphore, #tpu.memory_space<semaphore_mem>>) src(%dma_wait3A_586 : memref<20000x128xf32, #tpu.memory_space<hbm>>) dst(%arg10 : memref<80x128xf32, #tpu.memory_space<vmem>>)
      %dma_start3A_587 = arith.constant 0 : i32
      %dma_start3A_588 = arith.constant 0 : i32
      %dma_start3A_589 = tpu.memref_slice %arg6[%dma_start3A_587, %dma_start3A_588] : memref<8x80xi32, #tpu.memory_space<vmem>> -> memref<1x80xi32, #tpu.memory_space<vmem>>
      %dma_start3A_590 = tpu.memref_squeeze %dma_start3A_589 : memref<1x80xi32, #tpu.memory_space<vmem>> -> memref<80xi32, #tpu.memory_space<vmem>>
      %dma_start3A_591 = arith.constant 0 : i32
      %dma_start3A_592 = arith.constant 0 : i32
      %dma_start3A_593 = tpu.memref_slice %arg12[%dma_start3A_591, %dma_start3A_592] : memref<10240x128xf32, #tpu.memory_space<vmem_shared>> -> memref<10240x128xf32, #tpu.memory_space<vmem_shared>>
      tpu.enqueue_indirect_dma source(%arg10 : memref<80x128xf32, #tpu.memory_space<vmem>>) target(%dma_start3A_593 : memref<10240x128xf32, #tpu.memory_space<vmem_shared>>) offsets(%dma_start3A_590 : memref<80xi32, #tpu.memory_space<vmem>>) semaphore(%arg15 : memref<!tpu.dma_semaphore, #tpu.memory_space<semaphore_mem>>) {add = true}
      %dma_wait3A_594 = arith.constant 0 : i32
      %dma_wait3A_595 = arith.constant 0 : i32
      %dma_wait3A_596 = tpu.memref_slice %arg2[%dma_wait3A_594, %dma_wait3A_595] : memref<20000x128xf32, #tpu.memory_space<hbm>> -> memref<80x128xf32, #tpu.memory_space<hbm>>
      %dma_wait3A_597 = arith.constant 0 : i32
      %dma_wait3A_598 = arith.constant 0 : i32
      %dma_wait3A_599 = tpu.memref_slice %arg2[%dma_wait3A_597, %dma_wait3A_598] : memref<20000x128xf32, #tpu.memory_space<hbm>> -> memref<80x128xf32, #tpu.memory_space<hbm>>
      tpu.wait_dma2 semaphore(%arg15 : memref<!tpu.dma_semaphore, #tpu.memory_space<semaphore_mem>>) src(%dma_wait3A_599 : memref<80x128xf32, #tpu.memory_space<hbm>>) dst(%arg10 : memref<80x128xf32, #tpu.memory_space<vmem>>)
      %add3A_600 = arith.constant 2 : i32
      %add3A_601 = arith.addi %add3A_579, %add3A_600 : i32
      %get3A_602 = arith.index_cast %add3A_601 : i32 to index
      %get3A_603 = arith.constant 0 : index
      %get3A_604 = tpu.vector_load %arg5[%get3A_602, %get3A_603] {strides = array<i32>} : memref<126x80xi32, #tpu.memory_space<vmem>>, vector<1x16xi32>,
      %get3A_605 = vector.shape_cast %get3A_604 : vector<1x16xi32> to vector<16xi32>
      %shift_right_logical3A_606 = arith.constant 15 : i32
      %shift_right_logical3A_607 = vector.broadcast %shift_right_logical3A_606 : i32 to vector<16xi32>
      %shift_right_logical3A_608 = arith.shrui %get3A_605, %shift_right_logical3A_607 : vector<16xi32>
      %swap3A_609 = arith.constant 0 : i32
      %swap3A_610 = arith.index_cast %swap3A_609 : i32 to index
      %swap3A_611 = arith.constant 0 : index
      %swap3A_612 = tpu.vector_load %arg6[%swap3A_610, %swap3A_611] {strides = array<i32>} : memref<8x80xi32, #tpu.memory_space<vmem>>, vector<1x16xi32>,
      %swap3A_613 = vector.shape_cast %swap3A_612 : vector<1x16xi32> to vector<16xi32>
      %swap3A_614 = vector.shape_cast %shift_right_logical3A_608 : vector<16xi32> to vector<1x16xi32>
      tpu.vector_store %arg6[%swap3A_610, %swap3A_611], %swap3A_614 {strides = array<i32>} : memref<8x80xi32, #tpu.memory_space<vmem>>, vector<1x16xi32>,
      %and3A_615 = arith.constant 32767 : i32
      %and3A_616 = vector.broadcast %and3A_615 : i32 to vector<16xi32>
      %and3A_617 = arith.andi %get3A_605, %and3A_616 : vector<16xi32>
      %swap3A_618 = arith.constant 0 : i32
      %swap3A_619 = arith.index_cast %swap3A_618 : i32 to index
      %swap3A_620 = arith.constant 0 : index
      %swap3A_621 = tpu.vector_load %arg7[%swap3A_619, %swap3A_620] {strides = array<i32>} : memref<8x80xi32, #tpu.memory_space<vmem>>, vector<1x16xi32>,
      %swap3A_622 = vector.shape_cast %swap3A_621 : vector<1x16xi32> to vector<16xi32>
      %swap3A_623 = vector.shape_cast %and3A_617 : vector<16xi32> to vector<1x16xi32>
      tpu.vector_store %arg7[%swap3A_619, %swap3A_620], %swap3A_623 {strides = array<i32>} : memref<8x80xi32, #tpu.memory_space<vmem>>, vector<1x16xi32>,
      %get3A_624 = arith.index_cast %add3A_601 : i32 to index
      %get3A_625 = arith.constant 16 : index
      %get3A_626 = tpu.vector_load %arg5[%get3A_624, %get3A_625] {strides = array<i32>} : memref<126x80xi32, #tpu.memory_space<vmem>>, vector<1x16xi32>,
      %get3A_627 = vector.shape_cast %get3A_626 : vector<1x16xi32> to vector<16xi32>
      %shift_right_logical3A_628 = arith.constant 15 : i32
      %shift_right_logical3A_629 = vector.broadcast %shift_right_logical3A_628 : i32 to vector<16xi32>
      %shift_right_logical3A_630 = arith.shrui %get3A_627, %shift_right_logical3A_629 : vector<16xi32>
      %swap3A_631 = arith.constant 0 : i32
      %swap3A_632 = arith.index_cast %swap3A_631 : i32 to index
      %swap3A_633 = arith.constant 16 : index
      %swap3A_634 = tpu.vector_load %arg6[%swap3A_632, %swap3A_633] {strides = array<i32>} : memref<8x80xi32, #tpu.memory_space<vmem>>, vector<1x16xi32>,
      %swap3A_635 = vector.shape_cast %swap3A_634 : vector<1x16xi32> to vector<16xi32>
      %swap3A_636 = vector.shape_cast %shift_right_logical3A_630 : vector<16xi32> to vector<1x16xi32>
      tpu.vector_store %arg6[%swap3A_632, %swap3A_633], %swap3A_636 {strides = array<i32>} : memref<8x80xi32, #tpu.memory_space<vmem>>, vector<1x16xi32>,
      %and3A_637 = arith.constant 32767 : i32
      %and3A_638 = vector.broadcast %and3A_637 : i32 to vector<16xi32>
      %and3A_639 = arith.andi %get3A_627, %and3A_638 : vector<16xi32>
      %swap3A_640 = arith.constant 0 : i32
      %swap3A_641 = arith.index_cast %swap3A_640 : i32 to index
      %swap3A_642 = arith.constant 16 : index
      %swap3A_643 = tpu.vector_load %arg7[%swap3A_641, %swap3A_642] {strides = array<i32>} : memref<8x80xi32, #tpu.memory_space<vmem>>, vector<1x16xi32>,
      %swap3A_644 = vector.shape_cast %swap3A_643 : vector<1x16xi32> to vector<16xi32>
      %swap3A_645 = vector.shape_cast %and3A_639 : vector<16xi32> to vector<1x16xi32>
      tpu.vector_store %arg7[%swap3A_641, %swap3A_642], %swap3A_645 {strides = array<i32>} : memref<8x80xi32, #tpu.memory_space<vmem>>, vector<1x16xi32>,
      %get3A_646 = arith.index_cast %add3A_601 : i32 to index
      %get3A_647 = arith.constant 32 : index
      %get3A_648 = tpu.vector_load %arg5[%get3A_646, %get3A_647] {strides = array<i32>} : memref<126x80xi32, #tpu.memory_space<vmem>>, vector<1x16xi32>,
      %get3A_649 = vector.shape_cast %get3A_648 : vector<1x16xi32> to vector<16xi32>
      %shift_right_logical3A_650 = arith.constant 15 : i32
      %shift_right_logical3A_651 = vector.broadcast %shift_right_logical3A_650 : i32 to vector<16xi32>
      %shift_right_logical3A_652 = arith.shrui %get3A_649, %shift_right_logical3A_651 : vector<16xi32>
      %swap3A_653 = arith.constant 0 : i32
      %swap3A_654 = arith.index_cast %swap3A_653 : i32 to index
      %swap3A_655 = arith.constant 32 : index
      %swap3A_656 = tpu.vector_load %arg6[%swap3A_654, %swap3A_655] {strides = array<i32>} : memref<8x80xi32, #tpu.memory_space<vmem>>, vector<1x16xi32>,
      %swap3A_657 = vector.shape_cast %swap3A_656 : vector<1x16xi32> to vector<16xi32>
      %swap3A_658 = vector.shape_cast %shift_right_logical3A_652 : vector<16xi32> to vector<1x16xi32>
      tpu.vector_store %arg6[%swap3A_654, %swap3A_655], %swap3A_658 {strides = array<i32>} : memref<8x80xi32, #tpu.memory_space<vmem>>, vector<1x16xi32>,
      %and3A_659 = arith.constant 32767 : i32
      %and3A_660 = vector.broadcast %and3A_659 : i32 to vector<16xi32>
      %and3A_661 = arith.andi %get3A_649, %and3A_660 : vector<16xi32>
      %swap3A_662 = arith.constant 0 : i32
      %swap3A_663 = arith.index_cast %swap3A_662 : i32 to index
      %swap3A_664 = arith.constant 32 : index
      %swap3A_665 = tpu.vector_load %arg7[%swap3A_663, %swap3A_664] {strides = array<i32>} : memref<8x80xi32, #tpu.memory_space<vmem>>, vector<1x16xi32>,
      %swap3A_666 = vector.shape_cast %swap3A_665 : vector<1x16xi32> to vector<16xi32>
      %swap3A_667 = vector.shape_cast %and3A_661 : vector<16xi32> to vector<1x16xi32>
      tpu.vector_store %arg7[%swap3A_663, %swap3A_664], %swap3A_667 {strides = array<i32>} : memref<8x80xi32, #tpu.memory_space<vmem>>, vector<1x16xi32>,
      %get3A_668 = arith.index_cast %add3A_601 : i32 to index
      %get3A_669 = arith.constant 48 : index
      %get3A_670 = tpu.vector_load %arg5[%get3A_668, %get3A_669] {strides = array<i32>} : memref<126x80xi32, #tpu.memory_space<vmem>>, vector<1x16xi32>,
      %get3A_671 = vector.shape_cast %get3A_670 : vector<1x16xi32> to vector<16xi32>
      %shift_right_logical3A_672 = arith.constant 15 : i32
      %shift_right_logical3A_673 = vector.broadcast %shift_right_logical3A_672 : i32 to vector<16xi32>
      %shift_right_logical3A_674 = arith.shrui %get3A_671, %shift_right_logical3A_673 : vector<16xi32>
      %swap3A_675 = arith.constant 0 : i32
      %swap3A_676 = arith.index_cast %swap3A_675 : i32 to index
      %swap3A_677 = arith.constant 48 : index
      %swap3A_678 = tpu.vector_load %arg6[%swap3A_676, %swap3A_677] {strides = array<i32>} : memref<8x80xi32, #tpu.memory_space<vmem>>, vector<1x16xi32>,
      %swap3A_679 = vector.shape_cast %swap3A_678 : vector<1x16xi32> to vector<16xi32>
      %swap3A_680 = vector.shape_cast %shift_right_logical3A_674 : vector<16xi32> to vector<1x16xi32>
      tpu.vector_store %arg6[%swap3A_676, %swap3A_677], %swap3A_680 {strides = array<i32>} : memref<8x80xi32, #tpu.memory_space<vmem>>, vector<1x16xi32>,
      %and3A_681 = arith.constant 32767 : i32
      %and3A_682 = vector.broadcast %and3A_681 : i32 to vector<16xi32>
      %and3A_683 = arith.andi %get3A_671, %and3A_682 : vector<16xi32>
      %swap3A_684 = arith.constant 0 : i32
      %swap3A_685 = arith.index_cast %swap3A_684 : i32 to index
      %swap3A_686 = arith.constant 48 : index
      %swap3A_687 = tpu.vector_load %arg7[%swap3A_685, %swap3A_686] {strides = array<i32>} : memref<8x80xi32, #tpu.memory_space<vmem>>, vector<1x16xi32>,
      %swap3A_688 = vector.shape_cast %swap3A_687 : vector<1x16xi32> to vector<16xi32>
      %swap3A_689 = vector.shape_cast %and3A_683 : vector<16xi32> to vector<1x16xi32>
      tpu.vector_store %arg7[%swap3A_685, %swap3A_686], %swap3A_689 {strides = array<i32>} : memref<8x80xi32, #tpu.memory_space<vmem>>, vector<1x16xi32>,
      %get3A_690 = arith.index_cast %add3A_601 : i32 to index
      %get3A_691 = arith.constant 64 : index
      %get3A_692 = tpu.vector_load %arg5[%get3A_690, %get3A_691] {strides = array<i32>} : memref<126x80xi32, #tpu.memory_space<vmem>>, vector<1x16xi32>,
      %get3A_693 = vector.shape_cast %get3A_692 : vector<1x16xi32> to vector<16xi32>
      %shift_right_logical3A_694 = arith.constant 15 : i32
      %shift_right_logical3A_695 = vector.broadcast %shift_right_logical3A_694 : i32 to vector<16xi32>
      %shift_right_logical3A_696 = arith.shrui %get3A_693, %shift_right_logical3A_695 : vector<16xi32>
      %swap3A_697 = arith.constant 0 : i32
      %swap3A_698 = arith.index_cast %swap3A_697 : i32 to index
      %swap3A_699 = arith.constant 64 : index
      %swap3A_700 = tpu.vector_load %arg6[%swap3A_698, %swap3A_699] {strides = array<i32>} : memref<8x80xi32, #tpu.memory_space<vmem>>, vector<1x16xi32>,
      %swap3A_701 = vector.shape_cast %swap3A_700 : vector<1x16xi32> to vector<16xi32>
      %swap3A_702 = vector.shape_cast %shift_right_logical3A_696 : vector<16xi32> to vector<1x16xi32>
      tpu.vector_store %arg6[%swap3A_698, %swap3A_699], %swap3A_702 {strides = array<i32>} : memref<8x80xi32, #tpu.memory_space<vmem>>, vector<1x16xi32>,
      %and3A_703 = arith.constant 32767 : i32
      %and3A_704 = vector.broadcast %and3A_703 : i32 to vector<16xi32>
      %and3A_705 = arith.andi %get3A_693, %and3A_704 : vector<16xi32>
      %swap3A_706 = arith.constant 0 : i32
      %swap3A_707 = arith.index_cast %swap3A_706 : i32 to index
      %swap3A_708 = arith.constant 64 : index
      %swap3A_709 = tpu.vector_load %arg7[%swap3A_707, %swap3A_708] {strides = array<i32>} : memref<8x80xi32, #tpu.memory_space<vmem>>, vector<1x16xi32>,
      %swap3A_710 = vector.shape_cast %swap3A_709 : vector<1x16xi32> to vector<16xi32>
      %swap3A_711 = vector.shape_cast %and3A_705 : vector<16xi32> to vector<1x16xi32>
      tpu.vector_store %arg7[%swap3A_707, %swap3A_708], %swap3A_711 {strides = array<i32>} : memref<8x80xi32, #tpu.memory_space<vmem>>, vector<1x16xi32>,
      %dma_start3A_712 = arith.constant 0 : i32
      %dma_start3A_713 = arith.constant 0 : i32
      %dma_start3A_714 = tpu.memref_slice %arg7[%dma_start3A_712, %dma_start3A_713] : memref<8x80xi32, #tpu.memory_space<vmem>> -> memref<1x80xi32, #tpu.memory_space<vmem>>
      %dma_start3A_715 = tpu.memref_squeeze %dma_start3A_714 : memref<1x80xi32, #tpu.memory_space<vmem>> -> memref<80xi32, #tpu.memory_space<vmem>>
      %dma_start3A_716 = arith.constant 0 : i32
      %dma_start3A_717 = arith.constant 0 : i32
      %dma_start3A_718 = tpu.memref_slice %arg2[%dma_start3A_716, %dma_start3A_717] : memref<20000x128xf32, #tpu.memory_space<hbm>> -> memref<20000x128xf32, #tpu.memory_space<hbm>>
      tpu.enqueue_indirect_dma source(%dma_start3A_718 : memref<20000x128xf32, #tpu.memory_space<hbm>>) target(%arg10 : memref<80x128xf32, #tpu.memory_space<vmem>>) offsets(%dma_start3A_715 : memref<80xi32, #tpu.memory_space<vmem>>) semaphore(%arg13 : memref<!tpu.dma_semaphore, #tpu.memory_space<semaphore_mem>>)
      %dma_wait3A_719 = arith.constant 0 : i32
      %dma_wait3A_720 = arith.constant 0 : i32
      %dma_wait3A_721 = tpu.memref_slice %arg9[%dma_wait3A_719, %dma_wait3A_720] : memref<8x80xi32, #tpu.memory_space<vmem>> -> memref<1x80xi32, #tpu.memory_space<vmem>>
      %dma_wait3A_722 = tpu.memref_squeeze %dma_wait3A_721 : memref<1x80xi32, #tpu.memory_space<vmem>> -> memref<80xi32, #tpu.memory_space<vmem>>
      %dma_wait3A_723 = arith.constant 0 : i32
      %dma_wait3A_724 = arith.constant 0 : i32
      %dma_wait3A_725 = tpu.memref_slice %arg2[%dma_wait3A_723, %dma_wait3A_724] : memref<20000x128xf32, #tpu.memory_space<hbm>> -> memref<20000x128xf32, #tpu.memory_space<hbm>>
      tpu.wait_indirect_dma semaphore(%arg14 : memref<!tpu.dma_semaphore, #tpu.memory_space<semaphore_mem>>) src(%dma_wait3A_725 : memref<20000x128xf32, #tpu.memory_space<hbm>>) dst(%arg11 : memref<80x128xf32, #tpu.memory_space<vmem>>)
      %dma_start3A_726 = arith.constant 0 : i32
      %dma_start3A_727 = arith.constant 0 : i32
      %dma_start3A_728 = tpu.memref_slice %arg8[%dma_start3A_726, %dma_start3A_727] : memref<8x80xi32, #tpu.memory_space<vmem>> -> memref<1x80xi32, #tpu.memory_space<vmem>>
      %dma_start3A_729 = tpu.memref_squeeze %dma_start3A_728 : memref<1x80xi32, #tpu.memory_space<vmem>> -> memref<80xi32, #tpu.memory_space<vmem>>
      %dma_start3A_730 = arith.constant 0 : i32
      %dma_start3A_731 = arith.constant 0 : i32
      %dma_start3A_732 = tpu.memref_slice %arg12[%dma_start3A_730, %dma_start3A_731] : memref<10240x128xf32, #tpu.memory_space<vmem_shared>> -> memref<10240x128xf32, #tpu.memory_space<vmem_shared>>
      tpu.enqueue_indirect_dma source(%arg11 : memref<80x128xf32, #tpu.memory_space<vmem>>) target(%dma_start3A_732 : memref<10240x128xf32, #tpu.memory_space<vmem_shared>>) offsets(%dma_start3A_729 : memref<80xi32, #tpu.memory_space<vmem>>) semaphore(%arg16 : memref<!tpu.dma_semaphore, #tpu.memory_space<semaphore_mem>>) {add = true}
      %dma_wait3A_733 = arith.constant 0 : i32
      %dma_wait3A_734 = arith.constant 0 : i32
      %dma_wait3A_735 = tpu.memref_slice %arg2[%dma_wait3A_733, %dma_wait3A_734] : memref<20000x128xf32, #tpu.memory_space<hbm>> -> memref<80x128xf32, #tpu.memory_space<hbm>>
      %dma_wait3A_736 = arith.constant 0 : i32
      %dma_wait3A_737 = arith.constant 0 : i32
      %dma_wait3A_738 = tpu.memref_slice %arg2[%dma_wait3A_736, %dma_wait3A_737] : memref<20000x128xf32, #tpu.memory_space<hbm>> -> memref<80x128xf32, #tpu.memory_space<hbm>>
      tpu.wait_dma2 semaphore(%arg16 : memref<!tpu.dma_semaphore, #tpu.memory_space<semaphore_mem>>) src(%dma_wait3A_738 : memref<80x128xf32, #tpu.memory_space<hbm>>) dst(%arg11 : memref<80x128xf32, #tpu.memory_space<vmem>>)
      %add3A_739 = arith.constant 3 : i32
      %add3A_740 = arith.addi %add3A_579, %add3A_739 : i32
      %get3A_741 = arith.index_cast %add3A_740 : i32 to index
      %get3A_742 = arith.constant 0 : index
      %get3A_743 = tpu.vector_load %arg5[%get3A_741, %get3A_742] {strides = array<i32>} : memref<126x80xi32, #tpu.memory_space<vmem>>, vector<1x16xi32>,
      %get3A_744 = vector.shape_cast %get3A_743 : vector<1x16xi32> to vector<16xi32>
      %shift_right_logical3A_745 = arith.constant 15 : i32
      %shift_right_logical3A_746 = vector.broadcast %shift_right_logical3A_745 : i32 to vector<16xi32>
      %shift_right_logical3A_747 = arith.shrui %get3A_744, %shift_right_logical3A_746 : vector<16xi32>
      %swap3A_748 = arith.constant 0 : i32
      %swap3A_749 = arith.index_cast %swap3A_748 : i32 to index
      %swap3A_750 = arith.constant 0 : index
      %swap3A_751 = tpu.vector_load %arg8[%swap3A_749, %swap3A_750] {strides = array<i32>} : memref<8x80xi32, #tpu.memory_space<vmem>>, vector<1x16xi32>,
      %swap3A_752 = vector.shape_cast %swap3A_751 : vector<1x16xi32> to vector<16xi32>
      %swap3A_753 = vector.shape_cast %shift_right_logical3A_747 : vector<16xi32> to vector<1x16xi32>
      tpu.vector_store %arg8[%swap3A_749, %swap3A_750], %swap3A_753 {strides = array<i32>} : memref<8x80xi32, #tpu.memory_space<vmem>>, vector<1x16xi32>,
      %and3A_754 = arith.constant 32767 : i32
      %and3A_755 = vector.broadcast %and3A_754 : i32 to vector<16xi32>
      %and3A_756 = arith.andi %get3A_744, %and3A_755 : vector<16xi32>
      %swap3A_757 = arith.constant 0 : i32
      %swap3A_758 = arith.index_cast %swap3A_757 : i32 to index
      %swap3A_759 = arith.constant 0 : index
      %swap3A_760 = tpu.vector_load %arg9[%swap3A_758, %swap3A_759] {strides = array<i32>} : memref<8x80xi32, #tpu.memory_space<vmem>>, vector<1x16xi32>,
      %swap3A_761 = vector.shape_cast %swap3A_760 : vector<1x16xi32> to vector<16xi32>
      %swap3A_762 = vector.shape_cast %and3A_756 : vector<16xi32> to vector<1x16xi32>
      tpu.vector_store %arg9[%swap3A_758, %swap3A_759], %swap3A_762 {strides = array<i32>} : memref<8x80xi32, #tpu.memory_space<vmem>>, vector<1x16xi32>,
      %get3A_763 = arith.index_cast %add3A_740 : i32 to index
      %get3A_764 = arith.constant 16 : index
      %get3A_765 = tpu.vector_load %arg5[%get3A_763, %get3A_764] {strides = array<i32>} : memref<126x80xi32, #tpu.memory_space<vmem>>, vector<1x16xi32>,
      %get3A_766 = vector.shape_cast %get3A_765 : vector<1x16xi32> to vector<16xi32>
      %shift_right_logical3A_767 = arith.constant 15 : i32
      %shift_right_logical3A_768 = vector.broadcast %shift_right_logical3A_767 : i32 to vector<16xi32>
      %shift_right_logical3A_769 = arith.shrui %get3A_766, %shift_right_logical3A_768 : vector<16xi32>
      %swap3A_770 = arith.constant 0 : i32
      %swap3A_771 = arith.index_cast %swap3A_770 : i32 to index
      %swap3A_772 = arith.constant 16 : index
      %swap3A_773 = tpu.vector_load %arg8[%swap3A_771, %swap3A_772] {strides = array<i32>} : memref<8x80xi32, #tpu.memory_space<vmem>>, vector<1x16xi32>,
      %swap3A_774 = vector.shape_cast %swap3A_773 : vector<1x16xi32> to vector<16xi32>
      %swap3A_775 = vector.shape_cast %shift_right_logical3A_769 : vector<16xi32> to vector<1x16xi32>
      tpu.vector_store %arg8[%swap3A_771, %swap3A_772], %swap3A_775 {strides = array<i32>} : memref<8x80xi32, #tpu.memory_space<vmem>>, vector<1x16xi32>,
      %and3A_776 = arith.constant 32767 : i32
      %and3A_777 = vector.broadcast %and3A_776 : i32 to vector<16xi32>
      %and3A_778 = arith.andi %get3A_766, %and3A_777 : vector<16xi32>
      %swap3A_779 = arith.constant 0 : i32
      %swap3A_780 = arith.index_cast %swap3A_779 : i32 to index
      %swap3A_781 = arith.constant 16 : index
      %swap3A_782 = tpu.vector_load %arg9[%swap3A_780, %swap3A_781] {strides = array<i32>} : memref<8x80xi32, #tpu.memory_space<vmem>>, vector<1x16xi32>,
      %swap3A_783 = vector.shape_cast %swap3A_782 : vector<1x16xi32> to vector<16xi32>
      %swap3A_784 = vector.shape_cast %and3A_778 : vector<16xi32> to vector<1x16xi32>
      tpu.vector_store %arg9[%swap3A_780, %swap3A_781], %swap3A_784 {strides = array<i32>} : memref<8x80xi32, #tpu.memory_space<vmem>>, vector<1x16xi32>,
      %get3A_785 = arith.index_cast %add3A_740 : i32 to index
      %get3A_786 = arith.constant 32 : index
      %get3A_787 = tpu.vector_load %arg5[%get3A_785, %get3A_786] {strides = array<i32>} : memref<126x80xi32, #tpu.memory_space<vmem>>, vector<1x16xi32>,
      %get3A_788 = vector.shape_cast %get3A_787 : vector<1x16xi32> to vector<16xi32>
      %shift_right_logical3A_789 = arith.constant 15 : i32
      %shift_right_logical3A_790 = vector.broadcast %shift_right_logical3A_789 : i32 to vector<16xi32>
      %shift_right_logical3A_791 = arith.shrui %get3A_788, %shift_right_logical3A_790 : vector<16xi32>
      %swap3A_792 = arith.constant 0 : i32
      %swap3A_793 = arith.index_cast %swap3A_792 : i32 to index
      %swap3A_794 = arith.constant 32 : index
      %swap3A_795 = tpu.vector_load %arg8[%swap3A_793, %swap3A_794] {strides = array<i32>} : memref<8x80xi32, #tpu.memory_space<vmem>>, vector<1x16xi32>,
      %swap3A_796 = vector.shape_cast %swap3A_795 : vector<1x16xi32> to vector<16xi32>
      %swap3A_797 = vector.shape_cast %shift_right_logical3A_791 : vector<16xi32> to vector<1x16xi32>
      tpu.vector_store %arg8[%swap3A_793, %swap3A_794], %swap3A_797 {strides = array<i32>} : memref<8x80xi32, #tpu.memory_space<vmem>>, vector<1x16xi32>,
      %and3A_798 = arith.constant 32767 : i32
      %and3A_799 = vector.broadcast %and3A_798 : i32 to vector<16xi32>
      %and3A_800 = arith.andi %get3A_788, %and3A_799 : vector<16xi32>
      %swap3A_801 = arith.constant 0 : i32
      %swap3A_802 = arith.index_cast %swap3A_801 : i32 to index
      %swap3A_803 = arith.constant 32 : index
      %swap3A_804 = tpu.vector_load %arg9[%swap3A_802, %swap3A_803] {strides = array<i32>} : memref<8x80xi32, #tpu.memory_space<vmem>>, vector<1x16xi32>,
      %swap3A_805 = vector.shape_cast %swap3A_804 : vector<1x16xi32> to vector<16xi32>
      %swap3A_806 = vector.shape_cast %and3A_800 : vector<16xi32> to vector<1x16xi32>
      tpu.vector_store %arg9[%swap3A_802, %swap3A_803], %swap3A_806 {strides = array<i32>} : memref<8x80xi32, #tpu.memory_space<vmem>>, vector<1x16xi32>,
      %get3A_807 = arith.index_cast %add3A_740 : i32 to index
      %get3A_808 = arith.constant 48 : index
      %get3A_809 = tpu.vector_load %arg5[%get3A_807, %get3A_808] {strides = array<i32>} : memref<126x80xi32, #tpu.memory_space<vmem>>, vector<1x16xi32>,
      %get3A_810 = vector.shape_cast %get3A_809 : vector<1x16xi32> to vector<16xi32>
      %shift_right_logical3A_811 = arith.constant 15 : i32
      %shift_right_logical3A_812 = vector.broadcast %shift_right_logical3A_811 : i32 to vector<16xi32>
      %shift_right_logical3A_813 = arith.shrui %get3A_810, %shift_right_logical3A_812 : vector<16xi32>
      %swap3A_814 = arith.constant 0 : i32
      %swap3A_815 = arith.index_cast %swap3A_814 : i32 to index
      %swap3A_816 = arith.constant 48 : index
      %swap3A_817 = tpu.vector_load %arg8[%swap3A_815, %swap3A_816] {strides = array<i32>} : memref<8x80xi32, #tpu.memory_space<vmem>>, vector<1x16xi32>,
      %swap3A_818 = vector.shape_cast %swap3A_817 : vector<1x16xi32> to vector<16xi32>
      %swap3A_819 = vector.shape_cast %shift_right_logical3A_813 : vector<16xi32> to vector<1x16xi32>
      tpu.vector_store %arg8[%swap3A_815, %swap3A_816], %swap3A_819 {strides = array<i32>} : memref<8x80xi32, #tpu.memory_space<vmem>>, vector<1x16xi32>,
      %and3A_820 = arith.constant 32767 : i32
      %and3A_821 = vector.broadcast %and3A_820 : i32 to vector<16xi32>
      %and3A_822 = arith.andi %get3A_810, %and3A_821 : vector<16xi32>
      %swap3A_823 = arith.constant 0 : i32
      %swap3A_824 = arith.index_cast %swap3A_823 : i32 to index
      %swap3A_825 = arith.constant 48 : index
      %swap3A_826 = tpu.vector_load %arg9[%swap3A_824, %swap3A_825] {strides = array<i32>} : memref<8x80xi32, #tpu.memory_space<vmem>>, vector<1x16xi32>,
      %swap3A_827 = vector.shape_cast %swap3A_826 : vector<1x16xi32> to vector<16xi32>
      %swap3A_828 = vector.shape_cast %and3A_822 : vector<16xi32> to vector<1x16xi32>
      tpu.vector_store %arg9[%swap3A_824, %swap3A_825], %swap3A_828 {strides = array<i32>} : memref<8x80xi32, #tpu.memory_space<vmem>>, vector<1x16xi32>,
      %get3A_829 = arith.index_cast %add3A_740 : i32 to index
      %get3A_830 = arith.constant 64 : index
      %get3A_831 = tpu.vector_load %arg5[%get3A_829, %get3A_830] {strides = array<i32>} : memref<126x80xi32, #tpu.memory_space<vmem>>, vector<1x16xi32>,
      %get3A_832 = vector.shape_cast %get3A_831 : vector<1x16xi32> to vector<16xi32>
      %shift_right_logical3A_833 = arith.constant 15 : i32
      %shift_right_logical3A_834 = vector.broadcast %shift_right_logical3A_833 : i32 to vector<16xi32>
      %shift_right_logical3A_835 = arith.shrui %get3A_832, %shift_right_logical3A_834 : vector<16xi32>
      %swap3A_836 = arith.constant 0 : i32
      %swap3A_837 = arith.index_cast %swap3A_836 : i32 to index
      %swap3A_838 = arith.constant 64 : index
      %swap3A_839 = tpu.vector_load %arg8[%swap3A_837, %swap3A_838] {strides = array<i32>} : memref<8x80xi32, #tpu.memory_space<vmem>>, vector<1x16xi32>,
      %swap3A_840 = vector.shape_cast %swap3A_839 : vector<1x16xi32> to vector<16xi32>
      %swap3A_841 = vector.shape_cast %shift_right_logical3A_835 : vector<16xi32> to vector<1x16xi32>
      tpu.vector_store %arg8[%swap3A_837, %swap3A_838], %swap3A_841 {strides = array<i32>} : memref<8x80xi32, #tpu.memory_space<vmem>>, vector<1x16xi32>,
      %and3A_842 = arith.constant 32767 : i32
      %and3A_843 = vector.broadcast %and3A_842 : i32 to vector<16xi32>
      %and3A_844 = arith.andi %get3A_832, %and3A_843 : vector<16xi32>
      %swap3A_845 = arith.constant 0 : i32
      %swap3A_846 = arith.index_cast %swap3A_845 : i32 to index
      %swap3A_847 = arith.constant 64 : index
      %swap3A_848 = tpu.vector_load %arg9[%swap3A_846, %swap3A_847] {strides = array<i32>} : memref<8x80xi32, #tpu.memory_space<vmem>>, vector<1x16xi32>,
      %swap3A_849 = vector.shape_cast %swap3A_848 : vector<1x16xi32> to vector<16xi32>
      %swap3A_850 = vector.shape_cast %and3A_844 : vector<16xi32> to vector<1x16xi32>
      tpu.vector_store %arg9[%swap3A_846, %swap3A_847], %swap3A_850 {strides = array<i32>} : memref<8x80xi32, #tpu.memory_space<vmem>>, vector<1x16xi32>,
      %dma_start3A_851 = arith.constant 0 : i32
      %dma_start3A_852 = arith.constant 0 : i32
      %dma_start3A_853 = tpu.memref_slice %arg9[%dma_start3A_851, %dma_start3A_852] : memref<8x80xi32, #tpu.memory_space<vmem>> -> memref<1x80xi32, #tpu.memory_space<vmem>>
      %dma_start3A_854 = tpu.memref_squeeze %dma_start3A_853 : memref<1x80xi32, #tpu.memory_space<vmem>> -> memref<80xi32, #tpu.memory_space<vmem>>
      %dma_start3A_855 = arith.constant 0 : i32
      %dma_start3A_856 = arith.constant 0 : i32
      %dma_start3A_857 = tpu.memref_slice %arg2[%dma_start3A_855, %dma_start3A_856] : memref<20000x128xf32, #tpu.memory_space<hbm>> -> memref<20000x128xf32, #tpu.memory_space<hbm>>
      tpu.enqueue_indirect_dma source(%dma_start3A_857 : memref<20000x128xf32, #tpu.memory_space<hbm>>) target(%arg11 : memref<80x128xf32, #tpu.memory_space<vmem>>) offsets(%dma_start3A_854 : memref<80xi32, #tpu.memory_space<vmem>>) semaphore(%arg14 : memref<!tpu.dma_semaphore, #tpu.memory_space<semaphore_mem>>)
    }
    %scan3A_389 = arith.constant 62 : i32
    %dma_wait3A_390 = arith.constant 0 : i32
    %dma_wait3A_391 = arith.constant 0 : i32
    %dma_wait3A_392 = tpu.memref_slice %arg7[%dma_wait3A_390, %dma_wait3A_391] : memref<8x80xi32, #tpu.memory_space<vmem>> -> memref<1x80xi32, #tpu.memory_space<vmem>>
    %dma_wait3A_393 = tpu.memref_squeeze %dma_wait3A_392 : memref<1x80xi32, #tpu.memory_space<vmem>> -> memref<80xi32, #tpu.memory_space<vmem>>
    %dma_wait3A_394 = arith.constant 0 : i32
    %dma_wait3A_395 = arith.constant 0 : i32
    %dma_wait3A_396 = tpu.memref_slice %arg2[%dma_wait3A_394, %dma_wait3A_395] : memref<20000x128xf32, #tpu.memory_space<hbm>> -> memref<20000x128xf32, #tpu.memory_space<hbm>>
    tpu.wait_indirect_dma semaphore(%arg13 : memref<!tpu.dma_semaphore, #tpu.memory_space<semaphore_mem>>) src(%dma_wait3A_396 : memref<20000x128xf32, #tpu.memory_space<hbm>>) dst(%arg10 : memref<80x128xf32, #tpu.memory_space<vmem>>)
    %dma_start3A_397 = arith.constant 0 : i32
    %dma_start3A_398 = arith.constant 0 : i32
    %dma_start3A_399 = tpu.memref_slice %arg6[%dma_start3A_397, %dma_start3A_398] : memref<8x80xi32, #tpu.memory_space<vmem>> -> memref<1x80xi32, #tpu.memory_space<vmem>>
    %dma_start3A_400 = tpu.memref_squeeze %dma_start3A_399 : memref<1x80xi32, #tpu.memory_space<vmem>> -> memref<80xi32, #tpu.memory_space<vmem>>
    %dma_start3A_401 = arith.constant 0 : i32
    %dma_start3A_402 = arith.constant 0 : i32
    %dma_start3A_403 = tpu.memref_slice %arg12[%dma_start3A_401, %dma_start3A_402] : memref<10240x128xf32, #tpu.memory_space<vmem_shared>> -> memref<10240x128xf32, #tpu.memory_space<vmem_shared>>
    tpu.enqueue_indirect_dma source(%arg10 : memref<80x128xf32, #tpu.memory_space<vmem>>) target(%dma_start3A_403 : memref<10240x128xf32, #tpu.memory_space<vmem_shared>>) offsets(%dma_start3A_400 : memref<80xi32, #tpu.memory_space<vmem>>) semaphore(%arg15 : memref<!tpu.dma_semaphore, #tpu.memory_space<semaphore_mem>>) {add = true}
    %dma_wait3A_404 = arith.constant 0 : i32
    %dma_wait3A_405 = arith.constant 0 : i32
    %dma_wait3A_406 = tpu.memref_slice %arg2[%dma_wait3A_404, %dma_wait3A_405] : memref<20000x128xf32, #tpu.memory_space<hbm>> -> memref<80x128xf32, #tpu.memory_space<hbm>>
    %dma_wait3A_407 = arith.constant 0 : i32
    %dma_wait3A_408 = arith.constant 0 : i32
    %dma_wait3A_409 = tpu.memref_slice %arg2[%dma_wait3A_407, %dma_wait3A_408] : memref<20000x128xf32, #tpu.memory_space<hbm>> -> memref<80x128xf32, #tpu.memory_space<hbm>>
    tpu.wait_dma2 semaphore(%arg15 : memref<!tpu.dma_semaphore, #tpu.memory_space<semaphore_mem>>) src(%dma_wait3A_409 : memref<80x128xf32, #tpu.memory_space<hbm>>) dst(%arg10 : memref<80x128xf32, #tpu.memory_space<vmem>>)
    %dma_wait3A_410 = arith.constant 0 : i32
    %dma_wait3A_411 = arith.constant 0 : i32
    %dma_wait3A_412 = tpu.memref_slice %arg9[%dma_wait3A_410, %dma_wait3A_411] : memref<8x80xi32, #tpu.memory_space<vmem>> -> memref<1x80xi32, #tpu.memory_space<vmem>>
    %dma_wait3A_413 = tpu.memref_squeeze %dma_wait3A_412 : memref<1x80xi32, #tpu.memory_space<vmem>> -> memref<80xi32, #tpu.memory_space<vmem>>
    %dma_wait3A_414 = arith.constant 0 : i32
    %dma_wait3A_415 = arith.constant 0 : i32
    %dma_wait3A_416 = tpu.memref_slice %arg2[%dma_wait3A_414, %dma_wait3A_415] : memref<20000x128xf32, #tpu.memory_space<hbm>> -> memref<20000x128xf32, #tpu.memory_space<hbm>>
    tpu.wait_indirect_dma semaphore(%arg14 : memref<!tpu.dma_semaphore, #tpu.memory_space<semaphore_mem>>) src(%dma_wait3A_416 : memref<20000x128xf32, #tpu.memory_space<hbm>>) dst(%arg11 : memref<80x128xf32, #tpu.memory_space<vmem>>)
    %dma_start3A_417 = arith.constant 0 : i32
    %dma_start3A_418 = arith.constant 0 : i32
    %dma_start3A_419 = tpu.memref_slice %arg8[%dma_start3A_417, %dma_start3A_418] : memref<8x80xi32, #tpu.memory_space<vmem>> -> memref<1x80xi32, #tpu.memory_space<vmem>>
    %dma_start3A_420 = tpu.memref_squeeze %dma_start3A_419 : memref<1x80xi32, #tpu.memory_space<vmem>> -> memref<80xi32, #tpu.memory_space<vmem>>
    %dma_start3A_421 = arith.constant 0 : i32
    %dma_start3A_422 = arith.constant 0 : i32
    %dma_start3A_423 = tpu.memref_slice %arg12[%dma_start3A_421, %dma_start3A_422] : memref<10240x128xf32, #tpu.memory_space<vmem_shared>> -> memref<10240x128xf32, #tpu.memory_space<vmem_shared>>
    tpu.enqueue_indirect_dma source(%arg11 : memref<80x128xf32, #tpu.memory_space<vmem>>) target(%dma_start3A_423 : memref<10240x128xf32, #tpu.memory_space<vmem_shared>>) offsets(%dma_start3A_420 : memref<80xi32, #tpu.memory_space<vmem>>) semaphore(%arg16 : memref<!tpu.dma_semaphore, #tpu.memory_space<semaphore_mem>>) {add = true}
    %dma_wait3A_424 = arith.constant 0 : i32
    %dma_wait3A_425 = arith.constant 0 : i32
    %dma_wait3A_426 = tpu.memref_slice %arg2[%dma_wait3A_424, %dma_wait3A_425] : memref<20000x128xf32, #tpu.memory_space<hbm>> -> memref<80x128xf32, #tpu.memory_space<hbm>>
    %dma_wait3A_427 = arith.constant 0 : i32
    %dma_wait3A_428 = arith.constant 0 : i32
    %dma_wait3A_429 = tpu.memref_slice %arg2[%dma_wait3A_427, %dma_wait3A_428] : memref<20000x128xf32, #tpu.memory_space<hbm>> -> memref<80x128xf32, #tpu.memory_space<hbm>>
    tpu.wait_dma2 semaphore(%arg16 : memref<!tpu.dma_semaphore, #tpu.memory_space<semaphore_mem>>) src(%dma_wait3A_429 : memref<80x128xf32, #tpu.memory_space<hbm>>) dst(%arg11 : memref<80x128xf32, #tpu.memory_space<vmem>>)
    %barrier3A_430 = arith.constant 0 : index
    tpu.barrier barrier_id(%barrier3A_430)
    %mul3A_431 = arith.constant 640 : i32
    %mul3A_432 = arith.muli %arg1, %mul3A_431 : i32
    %add3A_433 = arith.constant 0 : i32
    %add3A_434 = arith.addi %mul3A_432, %add3A_433 : i32
    %dma_start3A_435 = arith.constant 0 : i32
    %dma_start3A_436 = tpu.memref_slice %arg4[%arg0, %add3A_434, %dma_start3A_435] : memref<2x10240x128xf32, #tpu.memory_space<hbm>> -> memref<1x80x128xf32, #tpu.memory_space<hbm>>
    %dma_start3A_437 = tpu.memref_squeeze %dma_start3A_436 : memref<1x80x128xf32, #tpu.memory_space<hbm>> -> memref<80x128xf32, #tpu.memory_space<hbm>>
    %dma_start3A_438 = arith.constant 0 : i32
    %dma_start3A_439 = tpu.memref_slice %arg12[%add3A_434, %dma_start3A_438] : memref<10240x128xf32, #tpu.memory_space<vmem_shared>> -> memref<80x128xf32, #tpu.memory_space<vmem_shared>>
    tpu.enqueue_dma source(%dma_start3A_439 : memref<80x128xf32, #tpu.memory_space<vmem_shared>>) target(%dma_start3A_437 : memref<80x128xf32, #tpu.memory_space<hbm>>) target_semaphore(%arg13 : memref<!tpu.dma_semaphore, #tpu.memory_space<semaphore_mem>>)
    %mul3A_440 = arith.constant 640 : i32
    %mul3A_441 = arith.muli %arg1, %mul3A_440 : i32
    %add3A_442 = arith.constant 80 : i32
    %add3A_443 = arith.addi %mul3A_441, %add3A_442 : i32
    %dma_start3A_444 = arith.constant 0 : i32
    %dma_start3A_445 = tpu.memref_slice %arg4[%arg0, %add3A_443, %dma_start3A_444] : memref<2x10240x128xf32, #tpu.memory_space<hbm>> -> memref<1x80x128xf32, #tpu.memory_space<hbm>>
    %dma_start3A_446 = tpu.memref_squeeze %dma_start3A_445 : memref<1x80x128xf32, #tpu.memory_space<hbm>> -> memref<80x128xf32, #tpu.memory_space<hbm>>
    %dma_start3A_447 = arith.constant 0 : i32
    %dma_start3A_448 = tpu.memref_slice %arg12[%add3A_443, %dma_start3A_447] : memref<10240x128xf32, #tpu.memory_space<vmem_shared>> -> memref<80x128xf32, #tpu.memory_space<vmem_shared>>
    tpu.enqueue_dma source(%dma_start3A_448 : memref<80x128xf32, #tpu.memory_space<vmem_shared>>) target(%dma_start3A_446 : memref<80x128xf32, #tpu.memory_space<hbm>>) target_semaphore(%arg13 : memref<!tpu.dma_semaphore, #tpu.memory_space<semaphore_mem>>)
    %mul3A_449 = arith.constant 640 : i32
    %mul3A_450 = arith.muli %arg1, %mul3A_449 : i32
    %add3A_451 = arith.constant 160 : i32
    %add3A_452 = arith.addi %mul3A_450, %add3A_451 : i32
    %dma_start3A_453 = arith.constant 0 : i32
    %dma_start3A_454 = tpu.memref_slice %arg4[%arg0, %add3A_452, %dma_start3A_453] : memref<2x10240x128xf32, #tpu.memory_space<hbm>> -> memref<1x80x128xf32, #tpu.memory_space<hbm>>
    %dma_start3A_455 = tpu.memref_squeeze %dma_start3A_454 : memref<1x80x128xf32, #tpu.memory_space<hbm>> -> memref<80x128xf32, #tpu.memory_space<hbm>>
    %dma_start3A_456 = arith.constant 0 : i32
    %dma_start3A_457 = tpu.memref_slice %arg12[%add3A_452, %dma_start3A_456] : memref<10240x128xf32, #tpu.memory_space<vmem_shared>> -> memref<80x128xf32, #tpu.memory_space<vmem_shared>>
    tpu.enqueue_dma source(%dma_start3A_457 : memref<80x128xf32, #tpu.memory_space<vmem_shared>>) target(%dma_start3A_455 : memref<80x128xf32, #tpu.memory_space<hbm>>) target_semaphore(%arg13 : memref<!tpu.dma_semaphore, #tpu.memory_space<semaphore_mem>>)
    %mul3A_458 = arith.constant 640 : i32
    %mul3A_459 = arith.muli %arg1, %mul3A_458 : i32
    %add3A_460 = arith.constant 240 : i32
    %add3A_461 = arith.addi %mul3A_459, %add3A_460 : i32
    %dma_start3A_462 = arith.constant 0 : i32
    %dma_start3A_463 = tpu.memref_slice %arg4[%arg0, %add3A_461, %dma_start3A_462] : memref<2x10240x128xf32, #tpu.memory_space<hbm>> -> memref<1x80x128xf32, #tpu.memory_space<hbm>>
    %dma_start3A_464 = tpu.memref_squeeze %dma_start3A_463 : memref<1x80x128xf32, #tpu.memory_space<hbm>> -> memref<80x128xf32, #tpu.memory_space<hbm>>
    %dma_start3A_465 = arith.constant 0 : i32
    %dma_start3A_466 = tpu.memref_slice %arg12[%add3A_461, %dma_start3A_465] : memref<10240x128xf32, #tpu.memory_space<vmem_shared>> -> memref<80x128xf32, #tpu.memory_space<vmem_shared>>
    tpu.enqueue_dma source(%dma_start3A_466 : memref<80x128xf32, #tpu.memory_space<vmem_shared>>) target(%dma_start3A_464 : memref<80x128xf32, #tpu.memory_space<hbm>>) target_semaphore(%arg13 : memref<!tpu.dma_semaphore, #tpu.memory_space<semaphore_mem>>)
    %mul3A_467 = arith.constant 640 : i32
    %mul3A_468 = arith.muli %arg1, %mul3A_467 : i32
    %add3A_469 = arith.constant 320 : i32
    %add3A_470 = arith.addi %mul3A_468, %add3A_469 : i32
    %dma_start3A_471 = arith.constant 0 : i32
    %dma_start3A_472 = tpu.memref_slice %arg4[%arg0, %add3A_470, %dma_start3A_471] : memref<2x10240x128xf32, #tpu.memory_space<hbm>> -> memref<1x80x128xf32, #tpu.memory_space<hbm>>
    %dma_start3A_473 = tpu.memref_squeeze %dma_start3A_472 : memref<1x80x128xf32, #tpu.memory_space<hbm>> -> memref<80x128xf32, #tpu.memory_space<hbm>>
    %dma_start3A_474 = arith.constant 0 : i32
    %dma_start3A_475 = tpu.memref_slice %arg12[%add3A_470, %dma_start3A_474] : memref<10240x128xf32, #tpu.memory_space<vmem_shared>> -> memref<80x128xf32, #tpu.memory_space<vmem_shared>>
    tpu.enqueue_dma source(%dma_start3A_475 : memref<80x128xf32, #tpu.memory_space<vmem_shared>>) target(%dma_start3A_473 : memref<80x128xf32, #tpu.memory_space<hbm>>) target_semaphore(%arg13 : memref<!tpu.dma_semaphore, #tpu.memory_space<semaphore_mem>>)
    %mul3A_476 = arith.constant 640 : i32
    %mul3A_477 = arith.muli %arg1, %mul3A_476 : i32
    %add3A_478 = arith.constant 400 : i32
    %add3A_479 = arith.addi %mul3A_477, %add3A_478 : i32
    %dma_start3A_480 = arith.constant 0 : i32
    %dma_start3A_481 = tpu.memref_slice %arg4[%arg0, %add3A_479, %dma_start3A_480] : memref<2x10240x128xf32, #tpu.memory_space<hbm>> -> memref<1x80x128xf32, #tpu.memory_space<hbm>>
    %dma_start3A_482 = tpu.memref_squeeze %dma_start3A_481 : memref<1x80x128xf32, #tpu.memory_space<hbm>> -> memref<80x128xf32, #tpu.memory_space<hbm>>
    %dma_start3A_483 = arith.constant 0 : i32
    %dma_start3A_484 = tpu.memref_slice %arg12[%add3A_479, %dma_start3A_483] : memref<10240x128xf32, #tpu.memory_space<vmem_shared>> -> memref<80x128xf32, #tpu.memory_space<vmem_shared>>
    tpu.enqueue_dma source(%dma_start3A_484 : memref<80x128xf32, #tpu.memory_space<vmem_shared>>) target(%dma_start3A_482 : memref<80x128xf32, #tpu.memory_space<hbm>>) target_semaphore(%arg13 : memref<!tpu.dma_semaphore, #tpu.memory_space<semaphore_mem>>)
    %mul3A_485 = arith.constant 640 : i32
    %mul3A_486 = arith.muli %arg1, %mul3A_485 : i32
    %add3A_487 = arith.constant 480 : i32
    %add3A_488 = arith.addi %mul3A_486, %add3A_487 : i32
    %dma_start3A_489 = arith.constant 0 : i32
    %dma_start3A_490 = tpu.memref_slice %arg4[%arg0, %add3A_488, %dma_start3A_489] : memref<2x10240x128xf32, #tpu.memory_space<hbm>> -> memref<1x80x128xf32, #tpu.memory_space<hbm>>
    %dma_start3A_491 = tpu.memref_squeeze %dma_start3A_490 : memref<1x80x128xf32, #tpu.memory_space<hbm>> -> memref<80x128xf32, #tpu.memory_space<hbm>>
    %dma_start3A_492 = arith.constant 0 : i32
    %dma_start3A_493 = tpu.memref_slice %arg12[%add3A_488, %dma_start3A_492] : memref<10240x128xf32, #tpu.memory_space<vmem_shared>> -> memref<80x128xf32, #tpu.memory_space<vmem_shared>>
    tpu.enqueue_dma source(%dma_start3A_493 : memref<80x128xf32, #tpu.memory_space<vmem_shared>>) target(%dma_start3A_491 : memref<80x128xf32, #tpu.memory_space<hbm>>) target_semaphore(%arg13 : memref<!tpu.dma_semaphore, #tpu.memory_space<semaphore_mem>>)
    %mul3A_494 = arith.constant 640 : i32
    %mul3A_495 = arith.muli %arg1, %mul3A_494 : i32
    %add3A_496 = arith.constant 560 : i32
    %add3A_497 = arith.addi %mul3A_495, %add3A_496 : i32
    %dma_start3A_498 = arith.constant 0 : i32
    %dma_start3A_499 = tpu.memref_slice %arg4[%arg0, %add3A_497, %dma_start3A_498] : memref<2x10240x128xf32, #tpu.memory_space<hbm>> -> memref<1x80x128xf32, #tpu.memory_space<hbm>>
    %dma_start3A_500 = tpu.memref_squeeze %dma_start3A_499 : memref<1x80x128xf32, #tpu.memory_space<hbm>> -> memref<80x128xf32, #tpu.memory_space<hbm>>
    %dma_start3A_501 = arith.constant 0 : i32
    %dma_start3A_502 = tpu.memref_slice %arg12[%add3A_497, %dma_start3A_501] : memref<10240x128xf32, #tpu.memory_space<vmem_shared>> -> memref<80x128xf32, #tpu.memory_space<vmem_shared>>
    tpu.enqueue_dma source(%dma_start3A_502 : memref<80x128xf32, #tpu.memory_space<vmem_shared>>) target(%dma_start3A_500 : memref<80x128xf32, #tpu.memory_space<hbm>>) target_semaphore(%arg13 : memref<!tpu.dma_semaphore, #tpu.memory_space<semaphore_mem>>)
    %mul3A_503 = arith.constant 640 : i32
    %mul3A_504 = arith.muli %arg1, %mul3A_503 : i32
    %add3A_505 = arith.constant 0 : i32
    %add3A_506 = arith.addi %mul3A_504, %add3A_505 : i32
    %dma_wait3A_507 = arith.constant 0 : i32
    %dma_wait3A_508 = tpu.memref_slice %arg4[%arg0, %add3A_506, %dma_wait3A_507] : memref<2x10240x128xf32, #tpu.memory_space<hbm>> -> memref<1x80x128xf32, #tpu.memory_space<hbm>>
    %dma_wait3A_509 = tpu.memref_squeeze %dma_wait3A_508 : memref<1x80x128xf32, #tpu.memory_space<hbm>> -> memref<80x128xf32, #tpu.memory_space<hbm>>
    %dma_wait3A_510 = arith.constant 0 : i32
    %dma_wait3A_511 = tpu.memref_slice %arg12[%add3A_506, %dma_wait3A_510] : memref<10240x128xf32, #tpu.memory_space<vmem_shared>> -> memref<80x128xf32, #tpu.memory_space<vmem_shared>>
    tpu.wait_dma2 semaphore(%arg13 : memref<!tpu.dma_semaphore, #tpu.memory_space<semaphore_mem>>) src(%dma_wait3A_511 : memref<80x128xf32, #tpu.memory_space<vmem_shared>>) dst(%dma_wait3A_509 : memref<80x128xf32, #tpu.memory_space<hbm>>)
    %mul3A_512 = arith.constant 640 : i32
    %mul3A_513 = arith.muli %arg1, %mul3A_512 : i32
    %add3A_514 = arith.constant 80 : i32
    %add3A_515 = arith.addi %mul3A_513, %add3A_514 : i32
    %dma_wait3A_516 = arith.constant 0 : i32
    %dma_wait3A_517 = tpu.memref_slice %arg4[%arg0, %add3A_515, %dma_wait3A_516] : memref<2x10240x128xf32, #tpu.memory_space<hbm>> -> memref<1x80x128xf32, #tpu.memory_space<hbm>>
    %dma_wait3A_518 = tpu.memref_squeeze %dma_wait3A_517 : memref<1x80x128xf32, #tpu.memory_space<hbm>> -> memref<80x128xf32, #tpu.memory_space<hbm>>
    %dma_wait3A_519 = arith.constant 0 : i32
    %dma_wait3A_520 = tpu.memref_slice %arg12[%add3A_515, %dma_wait3A_519] : memref<10240x128xf32, #tpu.memory_space<vmem_shared>> -> memref<80x128xf32, #tpu.memory_space<vmem_shared>>
    tpu.wait_dma2 semaphore(%arg13 : memref<!tpu.dma_semaphore, #tpu.memory_space<semaphore_mem>>) src(%dma_wait3A_520 : memref<80x128xf32, #tpu.memory_space<vmem_shared>>) dst(%dma_wait3A_518 : memref<80x128xf32, #tpu.memory_space<hbm>>)
    %mul3A_521 = arith.constant 640 : i32
    %mul3A_522 = arith.muli %arg1, %mul3A_521 : i32
    %add3A_523 = arith.constant 160 : i32
    %add3A_524 = arith.addi %mul3A_522, %add3A_523 : i32
    %dma_wait3A_525 = arith.constant 0 : i32
    %dma_wait3A_526 = tpu.memref_slice %arg4[%arg0, %add3A_524, %dma_wait3A_525] : memref<2x10240x128xf32, #tpu.memory_space<hbm>> -> memref<1x80x128xf32, #tpu.memory_space<hbm>>
    %dma_wait3A_527 = tpu.memref_squeeze %dma_wait3A_526 : memref<1x80x128xf32, #tpu.memory_space<hbm>> -> memref<80x128xf32, #tpu.memory_space<hbm>>
    %dma_wait3A_528 = arith.constant 0 : i32
    %dma_wait3A_529 = tpu.memref_slice %arg12[%add3A_524, %dma_wait3A_528] : memref<10240x128xf32, #tpu.memory_space<vmem_shared>> -> memref<80x128xf32, #tpu.memory_space<vmem_shared>>
    tpu.wait_dma2 semaphore(%arg13 : memref<!tpu.dma_semaphore, #tpu.memory_space<semaphore_mem>>) src(%dma_wait3A_529 : memref<80x128xf32, #tpu.memory_space<vmem_shared>>) dst(%dma_wait3A_527 : memref<80x128xf32, #tpu.memory_space<hbm>>)
    %mul3A_530 = arith.constant 640 : i32
    %mul3A_531 = arith.muli %arg1, %mul3A_530 : i32
    %add3A_532 = arith.constant 240 : i32
    %add3A_533 = arith.addi %mul3A_531, %add3A_532 : i32
    %dma_wait3A_534 = arith.constant 0 : i32
    %dma_wait3A_535 = tpu.memref_slice %arg4[%arg0, %add3A_533, %dma_wait3A_534] : memref<2x10240x128xf32, #tpu.memory_space<hbm>> -> memref<1x80x128xf32, #tpu.memory_space<hbm>>
    %dma_wait3A_536 = tpu.memref_squeeze %dma_wait3A_535 : memref<1x80x128xf32, #tpu.memory_space<hbm>> -> memref<80x128xf32, #tpu.memory_space<hbm>>
    %dma_wait3A_537 = arith.constant 0 : i32
    %dma_wait3A_538 = tpu.memref_slice %arg12[%add3A_533, %dma_wait3A_537] : memref<10240x128xf32, #tpu.memory_space<vmem_shared>> -> memref<80x128xf32, #tpu.memory_space<vmem_shared>>
    tpu.wait_dma2 semaphore(%arg13 : memref<!tpu.dma_semaphore, #tpu.memory_space<semaphore_mem>>) src(%dma_wait3A_538 : memref<80x128xf32, #tpu.memory_space<vmem_shared>>) dst(%dma_wait3A_536 : memref<80x128xf32, #tpu.memory_space<hbm>>)
    %mul3A_539 = arith.constant 640 : i32
    %mul3A_540 = arith.muli %arg1, %mul3A_539 : i32
    %add3A_541 = arith.constant 320 : i32
    %add3A_542 = arith.addi %mul3A_540, %add3A_541 : i32
    %dma_wait3A_543 = arith.constant 0 : i32
    %dma_wait3A_544 = tpu.memref_slice %arg4[%arg0, %add3A_542, %dma_wait3A_543] : memref<2x10240x128xf32, #tpu.memory_space<hbm>> -> memref<1x80x128xf32, #tpu.memory_space<hbm>>
    %dma_wait3A_545 = tpu.memref_squeeze %dma_wait3A_544 : memref<1x80x128xf32, #tpu.memory_space<hbm>> -> memref<80x128xf32, #tpu.memory_space<hbm>>
    %dma_wait3A_546 = arith.constant 0 : i32
    %dma_wait3A_547 = tpu.memref_slice %arg12[%add3A_542, %dma_wait3A_546] : memref<10240x128xf32, #tpu.memory_space<vmem_shared>> -> memref<80x128xf32, #tpu.memory_space<vmem_shared>>
    tpu.wait_dma2 semaphore(%arg13 : memref<!tpu.dma_semaphore, #tpu.memory_space<semaphore_mem>>) src(%dma_wait3A_547 : memref<80x128xf32, #tpu.memory_space<vmem_shared>>) dst(%dma_wait3A_545 : memref<80x128xf32, #tpu.memory_space<hbm>>)
    %mul3A_548 = arith.constant 640 : i32
    %mul3A_549 = arith.muli %arg1, %mul3A_548 : i32
    %add3A_550 = arith.constant 400 : i32
    %add3A_551 = arith.addi %mul3A_549, %add3A_550 : i32
    %dma_wait3A_552 = arith.constant 0 : i32
    %dma_wait3A_553 = tpu.memref_slice %arg4[%arg0, %add3A_551, %dma_wait3A_552] : memref<2x10240x128xf32, #tpu.memory_space<hbm>> -> memref<1x80x128xf32, #tpu.memory_space<hbm>>
    %dma_wait3A_554 = tpu.memref_squeeze %dma_wait3A_553 : memref<1x80x128xf32, #tpu.memory_space<hbm>> -> memref<80x128xf32, #tpu.memory_space<hbm>>
    %dma_wait3A_555 = arith.constant 0 : i32
    %dma_wait3A_556 = tpu.memref_slice %arg12[%add3A_551, %dma_wait3A_555] : memref<10240x128xf32, #tpu.memory_space<vmem_shared>> -> memref<80x128xf32, #tpu.memory_space<vmem_shared>>
    tpu.wait_dma2 semaphore(%arg13 : memref<!tpu.dma_semaphore, #tpu.memory_space<semaphore_mem>>) src(%dma_wait3A_556 : memref<80x128xf32, #tpu.memory_space<vmem_shared>>) dst(%dma_wait3A_554 : memref<80x128xf32, #tpu.memory_space<hbm>>)
    %mul3A_557 = arith.constant 640 : i32
    %mul3A_558 = arith.muli %arg1, %mul3A_557 : i32
    %add3A_559 = arith.constant 480 : i32
    %add3A_560 = arith.addi %mul3A_558, %add3A_559 : i32
    %dma_wait3A_561 = arith.constant 0 : i32
    %dma_wait3A_562 = tpu.memref_slice %arg4[%arg0, %add3A_560, %dma_wait3A_561] : memref<2x10240x128xf32, #tpu.memory_space<hbm>> -> memref<1x80x128xf32, #tpu.memory_space<hbm>>
    %dma_wait3A_563 = tpu.memref_squeeze %dma_wait3A_562 : memref<1x80x128xf32, #tpu.memory_space<hbm>> -> memref<80x128xf32, #tpu.memory_space<hbm>>
    %dma_wait3A_564 = arith.constant 0 : i32
    %dma_wait3A_565 = tpu.memref_slice %arg12[%add3A_560, %dma_wait3A_564] : memref<10240x128xf32, #tpu.memory_space<vmem_shared>> -> memref<80x128xf32, #tpu.memory_space<vmem_shared>>
    tpu.wait_dma2 semaphore(%arg13 : memref<!tpu.dma_semaphore, #tpu.memory_space<semaphore_mem>>) src(%dma_wait3A_565 : memref<80x128xf32, #tpu.memory_space<vmem_shared>>) dst(%dma_wait3A_563 : memref<80x128xf32, #tpu.memory_space<hbm>>)
    %mul3A_566 = arith.constant 640 : i32
    %mul3A_567 = arith.muli %arg1, %mul3A_566 : i32
    %add3A_568 = arith.constant 560 : i32
    %add3A_569 = arith.addi %mul3A_567, %add3A_568 : i32
    %dma_wait3A_570 = arith.constant 0 : i32
    %dma_wait3A_571 = tpu.memref_slice %arg4[%arg0, %add3A_569, %dma_wait3A_570] : memref<2x10240x128xf32, #tpu.memory_space<hbm>> -> memref<1x80x128xf32, #tpu.memory_space<hbm>>
    %dma_wait3A_572 = tpu.memref_squeeze %dma_wait3A_571 : memref<1x80x128xf32, #tpu.memory_space<hbm>> -> memref<80x128xf32, #tpu.memory_space<hbm>>
    %dma_wait3A_573 = arith.constant 0 : i32
    %dma_wait3A_574 = tpu.memref_slice %arg12[%add3A_569, %dma_wait3A_573] : memref<10240x128xf32, #tpu.memory_space<vmem_shared>> -> memref<80x128xf32, #tpu.memory_space<vmem_shared>>
    tpu.wait_dma2 semaphore(%arg13 : memref<!tpu.dma_semaphore, #tpu.memory_space<semaphore_mem>>) src(%dma_wait3A_574 : memref<80x128xf32, #tpu.memory_space<vmem_shared>>) dst(%dma_wait3A_572 : memref<80x128xf32, #tpu.memory_space<hbm>>)
    return
  }
}

module attributes {stable_mosaic.version = 14 : i64} {
  func.func @_post_body(%arg0: i32, %arg1: memref<2x2000x128xf32, #tpu.memory_space<vmem>>, %arg2: memref<2000x1xf32, #tpu.memory_space<vmem>>, %arg3: memref<2000x256xf32, #tpu.memory_space<vmem>>) attributes {dimension_semantics = [#tpu.dimension_semantics<arbitrary>], iteration_bounds = array<i64: 5>, scalar_prefetch = 0 : i64, scratch_operands = 0 : i64, tpu.core_type = #tpu.core_type<tc>, window_params = [{transform_indices = @transform_0, window_bounds = array<i64: 2, 2000, 128>}, {transform_indices = @transform_1, window_bounds = array<i64: 2000, 1>}, {transform_indices = @transform_2, window_bounds = array<i64: 2000, 256>}]} {
    %get3A = arith.constant 0 : index
    %get3A_0 = arith.constant 0 : index
    %get3A_1 = vector.load %arg2[%get3A, %get3A_0] : memref<2000x1xf32, #tpu.memory_space<vmem>>, vector<2000x1xf32>
    %get3A_2 = arith.constant 0 : index
    %get3A_3 = arith.constant 0 : index
    %get3A_4 = arith.constant 0 : index
    %get3A_5 = vector.load %arg1[%get3A_2, %get3A_3, %get3A_4] : memref<2x2000x128xf32, #tpu.memory_space<vmem>>, vector<1x2000x128xf32>
    %get3A_6 = vector.shape_cast %get3A_5 : vector<1x2000x128xf32> to vector<2000x128xf32>
    %get3A_7 = arith.constant 1 : index
    %get3A_8 = arith.constant 0 : index
    %get3A_9 = arith.constant 0 : index
    %get3A_10 = vector.load %arg1[%get3A_7, %get3A_8, %get3A_9] : memref<2x2000x128xf32, #tpu.memory_space<vmem>>, vector<1x2000x128xf32>
    %get3A_11 = vector.shape_cast %get3A_10 : vector<1x2000x128xf32> to vector<2000x128xf32>
    %mul3A = vector.broadcast %get3A_1 : vector<2000x1xf32> to vector<2000x128xf32>
    %mul3A_12 = arith.mulf %get3A_6, %mul3A : vector<2000x128xf32>
    %mul3A_13 = vector.broadcast %get3A_1 : vector<2000x1xf32> to vector<2000x128xf32>
    %mul3A_14 = arith.mulf %get3A_11, %mul3A_13 : vector<2000x128xf32>
    %concatenate3A = tpu.concatenate %mul3A_12, %mul3A_14 in 1 : vector<2000x128xf32>, vector<2000x128xf32> -> vector<2000x256xf32>
    %swap3A = arith.constant 0 : index
    %swap3A_15 = arith.constant 0 : index
    %swap3A_16 = vector.load %arg3[%swap3A, %swap3A_15] : memref<2000x256xf32, #tpu.memory_space<vmem>>, vector<2000x256xf32>
    tpu.vector_store %arg3[%swap3A, %swap3A_15], %concatenate3A {strides = array<i32>} : memref<2000x256xf32, #tpu.memory_space<vmem>>, vector<2000x256xf32>,
    return
  }
  func.func @transform_0(%arg0: i32) -> (i32, i32, i32) {
    %c0_i32 = arith.constant 0 : i32
    %c0_i32_0 = arith.constant 0 : i32
    %c0_i32_1 = arith.constant 0 : i32
    return %c0_i32, %arg0, %c0_i32_0 : i32, i32, i32
  }
  func.func @transform_1(%arg0: i32) -> (i32, i32) {
    %c0_i32 = arith.constant 0 : i32
    %c0_i32_0 = arith.constant 0 : i32
    return %arg0, %c0_i32 : i32, i32
  }
  func.func @transform_2(%arg0: i32) -> (i32, i32) {
    %c0_i32 = arith.constant 0 : i32
    %c0_i32_0 = arith.constant 0 : i32
    return %arg0, %c0_i32 : i32, i32
  }
}

module attributes {stable_mosaic.version = 14 : i64} {
  func.func @_mm_body(%arg0: i32, %arg1: memref<2000x256xf32, #tpu.memory_space<vmem>>, %arg2: memref<256x256xf32, #tpu.memory_space<vmem>>, %arg3: memref<2x2000x1xf32, #tpu.memory_space<vmem>>, %arg4: memref<2x2000x128xf32, #tpu.memory_space<vmem>>, %arg5: memref<2000x1xf32, #tpu.memory_space<vmem>>) attributes {dimension_semantics = [#tpu.dimension_semantics<arbitrary>], iteration_bounds = array<i64: 5>, scalar_prefetch = 0 : i64, scratch_operands = 0 : i64, tpu.core_type = #tpu.core_type<tc>, window_params = [{transform_indices = @transform_0, window_bounds = array<i64: 2000, 256>}, {pipeline_mode = #tpu.pipeline_mode<synchronous>, transform_indices = @transform_1, window_bounds = array<i64: 256, 256>}, {transform_indices = @transform_2, window_bounds = array<i64: 2, 2000, 1>}, {transform_indices = @transform_3, window_bounds = array<i64: 2, 2000, 128>}, {transform_indices = @transform_4, window_bounds = array<i64: 2000, 1>}]} {
    %get3A = arith.constant 0 : index
    %get3A_0 = arith.constant 0 : index
    %get3A_1 = arith.constant 0 : index
    %get3A_2 = vector.load %arg3[%get3A, %get3A_0, %get3A_1] : memref<2x2000x1xf32, #tpu.memory_space<vmem>>, vector<1x2000x1xf32>
    %get3A_3 = vector.shape_cast %get3A_2 : vector<1x2000x1xf32> to vector<2000x1xf32>
    %get3A_4 = arith.constant 1 : index
    %get3A_5 = arith.constant 0 : index
    %get3A_6 = arith.constant 0 : index
    %get3A_7 = vector.load %arg3[%get3A_4, %get3A_5, %get3A_6] : memref<2x2000x1xf32, #tpu.memory_space<vmem>>, vector<1x2000x1xf32>
    %get3A_8 = vector.shape_cast %get3A_7 : vector<1x2000x1xf32> to vector<2000x1xf32>
    %add3A = arith.addf %get3A_3, %get3A_8 : vector<2000x1xf32>
    %gt3A = arith.constant 0.000000e+00 : f32
    %gt3A_9 = vector.broadcast %gt3A : f32 to vector<2000x1xf32>
    %gt3A_10 = arith.cmpf ogt, %add3A, %gt3A_9 : vector<2000x1xf32>
    %rsqrt3A = math.rsqrt %add3A : vector<2000x1xf32>
    %jit3A = arith.constant 0.000000e+00 : f32
    %broadcast_in_dim3A = vector.broadcast %jit3A : f32 to vector<2000x1xf32>
    %select_n3A = arith.select %gt3A_10, %rsqrt3A, %broadcast_in_dim3A : vector<2000x1xi1>, vector<2000x1xf32>
    %get3A_11 = arith.constant 0 : index
    %get3A_12 = arith.constant 0 : index
    %get3A_13 = vector.load %arg1[%get3A_11, %get3A_12] : memref<2000x256xf32, #tpu.memory_space<vmem>>, vector<2000x256xf32>
    %get3A_14 = arith.constant 0 : index
    %get3A_15 = arith.constant 0 : index
    %get3A_16 = vector.load %arg2[%get3A_14, %get3A_15] : memref<256x256xf32, #tpu.memory_space<vmem>>, vector<256x256xf32>
    %dot_general3A = arith.constant dense<0.000000e+00> : vector<2000x256xf32>
    %dot_general3A_17 = tpu.matmul %get3A_13, %get3A_16, %dot_general3A {dimension_numbers = #tpu.dot_dimension_numbers<[1], [0], [0], [1], [0, 0, 1, 1], [], []>, transpose_lhs_hint = false} : vector<2000x256xf32>, vector<256x256xf32>, vector<2000x256xf32> -> vector<2000x256xf32>
    %mul3A = vector.broadcast %select_n3A : vector<2000x1xf32> to vector<2000x256xf32>
    %mul3A_18 = arith.mulf %dot_general3A_17, %mul3A : vector<2000x256xf32>
    %slice3A = vector.extract_strided_slice %mul3A_18 {offsets = [0, 0], sizes = [2000, 128], strides = [1, 1]} : vector<2000x256xf32> to vector<2000x128xf32>
    %swap3A = arith.constant 0 : index
    %swap3A_19 = arith.constant 0 : index
    %swap3A_20 = arith.constant 0 : index
    %swap3A_21 = vector.load %arg4[%swap3A, %swap3A_19, %swap3A_20] : memref<2x2000x128xf32, #tpu.memory_space<vmem>>, vector<1x2000x128xf32>
    %swap3A_22 = vector.shape_cast %swap3A_21 : vector<1x2000x128xf32> to vector<2000x128xf32>
    %swap3A_23 = vector.shape_cast %slice3A : vector<2000x128xf32> to vector<1x2000x128xf32>
    tpu.vector_store %arg4[%swap3A, %swap3A_19, %swap3A_20], %swap3A_23 {strides = array<i32>} : memref<2x2000x128xf32, #tpu.memory_space<vmem>>, vector<1x2000x128xf32>,
    %slice3A_24 = vector.extract_strided_slice %mul3A_18 {offsets = [0, 128], sizes = [2000, 128], strides = [1, 1]} : vector<2000x256xf32> to vector<2000x128xf32>
    %swap3A_25 = arith.constant 1 : index
    %swap3A_26 = arith.constant 0 : index
    %swap3A_27 = arith.constant 0 : index
    %swap3A_28 = vector.load %arg4[%swap3A_25, %swap3A_26, %swap3A_27] : memref<2x2000x128xf32, #tpu.memory_space<vmem>>, vector<1x2000x128xf32>
    %swap3A_29 = vector.shape_cast %swap3A_28 : vector<1x2000x128xf32> to vector<2000x128xf32>
    %swap3A_30 = vector.shape_cast %slice3A_24 : vector<2000x128xf32> to vector<1x2000x128xf32>
    tpu.vector_store %arg4[%swap3A_25, %swap3A_26, %swap3A_27], %swap3A_30 {strides = array<i32>} : memref<2x2000x128xf32, #tpu.memory_space<vmem>>, vector<1x2000x128xf32>,
    %swap3A_31 = arith.constant 0 : index
    %swap3A_32 = arith.constant 0 : index
    %swap3A_33 = vector.load %arg5[%swap3A_31, %swap3A_32] : memref<2000x1xf32, #tpu.memory_space<vmem>>, vector<2000x1xf32>
    tpu.vector_store %arg5[%swap3A_31, %swap3A_32], %select_n3A {strides = array<i32>} : memref<2000x1xf32, #tpu.memory_space<vmem>>, vector<2000x1xf32>,
    return
  }
  func.func @transform_0(%arg0: i32) -> (i32, i32) {
    %c0_i32 = arith.constant 0 : i32
    %c0_i32_0 = arith.constant 0 : i32
    return %arg0, %c0_i32 : i32, i32
  }
  func.func @transform_1(%arg0: i32) -> (i32, i32) {
    %c0_i32 = arith.constant 0 : i32
    %c0_i32_0 = arith.constant 0 : i32
    %c0_i32_1 = arith.constant 0 : i32
    return %c0_i32, %c0_i32_0 : i32, i32
  }
  func.func @transform_2(%arg0: i32) -> (i32, i32, i32) {
    %c0_i32 = arith.constant 0 : i32
    %c0_i32_0 = arith.constant 0 : i32
    %c0_i32_1 = arith.constant 0 : i32
    return %c0_i32, %arg0, %c0_i32_0 : i32, i32, i32
  }
  func.func @transform_3(%arg0: i32) -> (i32, i32, i32) {
    %c0_i32 = arith.constant 0 : i32
    %c0_i32_0 = arith.constant 0 : i32
    %c0_i32_1 = arith.constant 0 : i32
    return %c0_i32, %arg0, %c0_i32_0 : i32, i32, i32
  }
  func.func @transform_4(%arg0: i32) -> (i32, i32) {
    %c0_i32 = arith.constant 0 : i32
    %c0_i32_0 = arith.constant 0 : i32
    return %arg0, %c0_i32 : i32, i32
  }
}

</mosaic_0001>

<sc_bundles>
// kernel: kernel.6.cloned.1.call-start
scs
__scs_entry_jumppad:
0x0: {  	(pc) =	sbr.rel $0x88, $3  }
0x1: {  	(tag) =	ssettag $0x0;
	lr =	simm.s32 $0x1  }
0x2: {  	[smem:$0x3F9E] =	sst lr;
	_ =	strace $0xD0000000  }
0x3: {  	_ = 	snop  }
0x4: {  	_ = 	snop  }
0x5: {  	_ = 	snop  }
0x6: {  	_ = 	snop  }
0x7: {  	_ = 	snop  }
__scs_overlays_trampoline_lowered:
0x8: {  	[smem:$0x3FAD] =	sst s0  }
0x9: {  	[smem:$0x3FAE] =	sst s1  }
0xa: {  	[smem:$0x3FAF] =	sst s2  }
0xb: {  	[smem:$0x3FB0] =	sst s3  }
0xc: {  	[smem:$0x3FB1] =	sst s4  }
0xd: {  	[smem:$0x3FB2] =	sst s5  }
0xe: {  	[smem:$0x3FB3] =	sst s6  }
0xf: {  	[smem:$0x3FB4] =	sst s7  }
0x10: {  	[smem:$0x3FB5] =	sst s8  }
0x11: {  	[smem:$0x3FB6] =	sst s9;
	s0 =	simm.s32 @!p0 $0x0  }
0x12: {  	s1 =	sld [smem:$0x3F9C];
	s0 =	simm.s32 @p0 $0x1  }
0x13: {  	[smem:$0x3FB7] =	sst s0;
	s0 =	simm.s32 @!p1 $0x0  }
0x14: {  	s2 =	sld [smem:$0x3F9B];
	s0 =	simm.s32 @p1 $0x1  }
0x15: {  	[smem:$0x3FB8] =	sst s0;
	s0 =	simm.s32 @!p2 $0x0  }
0x16: {  	s3 =	sld [smem:$0x3FDB];
	s0 =	simm.s32 @p2 $0x1  }
0x17: {  	s4 =	simm.s32 $0x1BF5;
	[smem:$0x3FBA] =	sst s0  }
0x18: {  	s0 =	sld [smem:$0x3F9D];
	_ =	swait.ge [sflag:s4], $0x0  }
0x19: {  	s7 =	sld [smem:$0x3F9E]  }
0x1a: {  	s8 =	sadd.s32 $0xFFFFE003, lr  }
0x1b: {  	s9 =	sadd.s32 $0xFFFFFEF7, lr;
	s5 =	simm.s32 $0xFFFFFFFF;
	p2 =	slt.u32 s8, $0xFFFFF086  }
0x1c: {  	p1 =	slt.u32 s9, $0xF7A;
	s5 =	simm.s32 @!p2 $0x0  }
0x1d: {  	s5 =	simm.s32 @p1 $0x1;
	p0 =	seq.s32 s7, s2  }
0x1e: {  	s7 =	smul.u32 @!p0 $0xF7A, s2;
	p2 =	seq.s32 @!p0 s5, $0x0  }
0x1f: {  	s9 =	smul.u32 $0xF7A, s1;
	s8 =	simm.s32 @!p0 $0x1BF5;
	p2 =	por !p2, p0  }
0x20: {  	[sflag:s8] =	ssyncset.s32 @!p0 $0xFFFFF086;
	s6 =	sadd.s32 @!p0 s3, s7;
	s7 =	simm.s32 @!p0 $0x108  }
0x21: {  	s3 =	sadd.s32 s3, s9;
	s6 =	sadd.s32 @!p0 $0x88, s6;
	s7 =	simm.s32 @p2 $0x1082  }
0x22: {  	[simem:s7], [sflag:s8] =	dma.local @!p0 [hbm:s6], $0xF7A  }
0x23: {  	s9 =	sor.u32 $0xD0000000, s2;
	s6 =	simm.s32 $0x108;
	_ =	swait.ge @!p0 [sflag:s8], $0x0  }
0x24: {  	s3 =	sadd.s32 $0x88, s3;
	s6 =	simm.s32 @!p1 $0x1082;
	[sflag:s4] =	ssyncset.s32 $0xFFFFF086  }
0x25: {  	[simem:s6], [sflag:s4] =	dma.local [hbm:s3], $0xF7A  }
0x26: {  	[smem:$0x3F9E] =	sst s1;
	(tag) =	ssettag s2;
	_ =	strace s9  }
0x27: {  	s1 =	sld [smem:$0x3FAE]  }
0x28: {  	s2 =	sld [smem:$0x3FAF]  }
0x29: {  	s4 =	sld [smem:$0x3FB1]  }
0x2a: {  	p0 =	seq.s32 s5, $0x0;
	s5 =	sld [smem:$0x3FB2]  }
0x2b: {  	s6 =	sld [smem:$0x3FB3]  }
0x2c: {  	s7 =	sld [smem:$0x3FB4]  }
0x2d: {  	s3 =	simm.s32 $0x108;
	s8 =	sld [smem:$0x3FB5]  }
0x2e: {  	s3 =	simm.s32 @!p0 $0x1082;
	s9 =	sld [smem:$0x3FB6]  }
0x2f: {  	lr =	sadd.s32 s0, s3;
	s0 =	sld [smem:$0x3FAD]  }
0x30: {  	s3 =	sld [smem:$0x3FB0]  }
0x31: {  	[smem:$0x3FB9] =	sst s10  }
0x32: {  	s10 =	sld [smem:$0x3FB7];
	_ =	sdelay $0x3  }
0x33: {  	p0 =	seq.s32 s10, $0x1;
	s10 =	sld [smem:$0x3FB9];
	_ =	sdelay $0x3  }
0x34: {  	[smem:$0x3FB9] =	sst s10  }
0x35: {  	s10 =	sld [smem:$0x3FB8];
	_ =	sdelay $0x3  }
0x36: {  	p1 =	seq.s32 s10, $0x1;
	s10 =	sld [smem:$0x3FB9];
	_ =	sdelay $0x3  }
0x37: {  	[smem:$0x3FB9] =	sst s10  }
0x38: {  	s10 =	sld [smem:$0x3FBA]  }
0x39: {  	_ = 	snop;
	(pc) =	sbr.ind lr, $3  }
0x3a: {  	_ = 	snop  }
0x3b: {  	_ = 	snop  }
0x3c: {  	p2 =	seq.s32 s10, $0x1;
	s10 =	sld [smem:$0x3FB9]  }
0x3d: {  	_ =	shalt  }
0x3e: {  	_ =	shalt  }
0x3f: {  	_ =	shalt  }
0x40: {  	_ =	shalt  }
0x41: {  	_ =	shalt  }
0x42: {  	_ =	shalt  }
0x43: {  	_ =	shalt  }
0x44: {  	_ =	shalt  }
0x45: {  	_ =	shalt  }
0x46: {  	_ =	shalt  }
0x47: {  	_ =	shalt  }
0x48: {  	_ =	shalt  }
0x49: {  	_ =	shalt  }
0x4a: {  	_ =	shalt  }
0x4b: {  	_ =	shalt  }
0x4c: {  	_ =	shalt  }
0x4d: {  	_ =	shalt  }
0x4e: {  	_ =	shalt  }
0x4f: {  	_ =	shalt  }
0x50: {  	_ =	shalt  }
0x51: {  	_ =	shalt  }
0x52: {  	_ =	shalt  }
0x53: {  	_ =	shalt  }
0x54: {  	_ =	shalt  }
0x55: {  	_ =	shalt  }
0x56: {  	_ =	shalt  }
0x57: {  	_ =	shalt  }
0x58: {  	_ =	shalt  }
0x59: {  	_ =	shalt  }
0x5a: {  	_ =	shalt  }
0x5b: {  	_ =	shalt  }
0x5c: {  	_ =	shalt  }
0x5d: {  	_ =	shalt  }
0x5e: {  	_ =	shalt  }
0x5f: {  	_ =	shalt  }
0x60: {  	_ =	shalt  }
0x61: {  	_ =	shalt  }
0x62: {  	_ =	shalt  }
0x63: {  	_ =	shalt  }
0x64: {  	_ =	shalt  }
0x65: {  	_ =	shalt  }
0x66: {  	_ =	shalt  }
0x67: {  	_ =	shalt  }
0x68: {  	_ =	shalt  }
0x69: {  	_ =	shalt  }
0x6a: {  	_ =	shalt  }
0x6b: {  	_ =	shalt  }
0x6c: {  	_ =	shalt  }
0x6d: {  	_ =	shalt  }
0x6e: {  	_ =	shalt  }
0x6f: {  	_ =	shalt  }
0x70: {  	_ =	shalt  }
0x71: {  	_ =	shalt  }
0x72: {  	_ =	shalt  }
0x73: {  	_ =	shalt  }
0x74: {  	_ =	shalt  }
0x75: {  	_ =	shalt  }
0x76: {  	_ =	shalt  }
0x77: {  	_ =	shalt  }
0x78: {  	_ =	shalt  }
0x79: {  	_ =	shalt  }
0x7a: {  	_ =	shalt  }
0x7b: {  	_ =	shalt  }
0x7c: {  	_ =	shalt  }
0x7d: {  	_ =	shalt  }
0x7e: {  	_ =	shalt  }
0x7f: {  	_ =	shalt  }
0x80: {  	_ =	shalt  }
0x81: {  	_ =	shalt  }
0x82: {  	_ =	shalt  }
0x83: {  	_ =	shalt  }
0x84: {  	_ =	shalt  }
0x85: {  	_ =	shalt  }
0x86: {  	_ =	shalt  }
0x87: {  	_ =	shalt  }
.Lfunc_end0:
.L_simem_size_0:
called_computation_lowered:
.L_overlay_start_0:
0x88: {  	s2 =	sld [smem:$0x3FD9]  }
0x89: {  	s3 =	sld [smem:$0x3FFE];
	_ =	sdelay $0x1  }
0x8a: {  	s1 =	srdreg.scid  }
0x8b: {  	s0 =	sand.u32 $0x1, s1  }
0x8c: {  	s17 =	sshll.u32 s0, $0xA;
	s2 =	sadd.s32 s3, s2  }
0x8d: {  	s2 =	sadd.s32 s2, s17  }
0x8e: {  	[smem:$0x3FC5] =	sst s2  }
0x8f: {  	_ = 	snop  }
0x90: {  	s2 =	sld [smem:$0x3FD0];
	(tm) =	ssettm $0x1  }
0x91: {  	s18 =	sld [smem:$0x3FFB];
	_ =	sdelay $0x3  }
0x92: {  	_ =	strace s18  }
0x93: {  	s3 =	sld [smem:$0x3FFC];
	_ =	sdelay $0x3  }
0x94: {  	_ =	strace s3  }
0x95: {  	s3 =	sld [smem:$0x3FFD];
	_ =	sdelay $0x3  }
0x96: {  	_ =	strace s3  }
0x97: {  	_ =	strace $0x8FFFFFFF  }
0x98: {  	s19 =	sld [smem:$0x3FDB];
	_ =	sdelay $0x1  }
0x99: {  	s4 =	simm.s32 $_scs_section_size  }
0x9a: {  	s5 =	simm.s32 $_size__tile_overlayer_lowered;
	s6 =	simm.s32 $_tile_overlayer_lowered  }
0x9b: {  	s22 =	simm.s32 $0x1BFF;
	s21 =	sshll.u32 s6, $0x1;
	s3 =	sadd.s32 s4, s19  }
0x9c: {  	s7 =	simm.s32 $0x0;
	s20 =	sshll.u32 s5, $0x1;
	s5 =	sadd.s32 s21, s3  }
0x9d: {  	[timem:s7], [sflag:s22] =	dma.local [hbm:s5], s20  }
0x9e: {  	_ =	swait.ge [sflag:s22], s20  }
0x9f: {  	s4 =	ssub.s32 $0x0, s20;
	[sflag:s22] =	ssyncset.done $0x0  }
0xa0: {  	[sflag:s22] =	ssyncadd.s32 s4;
	_ =	sdelay $0x1  }
0xa1: {  	s23 =	simm.s32 $0x1B8B  }
0xa2: {  	_ =	swait.ge [sflag:s23], $0x1  }
0xa3: {  	[sflag:s23] =	ssyncset.done $0x0  }
0xa4: {  	s25 =	simm.s32 $0x1B8E;
	s24 =	sld [smem:$0x3FFE];
	[sflag:s23] =	ssyncadd.s32 $0xFFFFFFFF  }
0xa5: {  	s26 =	simm.s32 $execute0_lowered;
	[smem:$0x3FD2] =	sst s25  }
0xa6: {  	s5 =	sshll.u32 s26, $0x1;
	_ =	strace $0x80000046;
	[dreg:$0x1] =	wrdreg $0xFFFFFFFF  }
0xa7: {  	s28 =	simm.s32 $_size_execute0_lowered;
	s3 =	sadd.s32 s3, s5;
	[dreg:$0x0] =	wrdreg $0x0  }
0xa8: {  	s5 =	sshll.u32 s28, $0x1;
	[dreg:$0x2] =	wrdreg s3  }
0xa9: {  	[dreg:$0x3] =	wrdreg s5  }
0xaa: {  	[dreg:$0x4] =	wrdreg $0xC0  }
0xab: {  	_ =	task [dreg:s7], $0x5FFFF  }
0xac: {  	[dreg:$0x1] =	wrdreg $0xFFFFFFFF  }
0xad: {  	[dreg:$0x0] =	wrdreg $0x60  }
0xae: {  	[dreg:$0x2] =	wrdreg s2  }
0xaf: {  	[dreg:$0x3] =	wrdreg s24  }
0xb0: {  	[dreg:$0x4] =	wrdreg $0x43000  }
0xb1: {  	[dreg:$0x5] =	wrdreg $0x9  }
0xb2: {  	_ =	task.clear_ibuf [dreg:s7], $0x6FFFF;
	_ =	strace $0x90000046  }
0xb3: {  	s29 =	simm.s32 $0x9;
	_ =	strace $0x80000048  }
0xb4: {  	_ =	swait.ge [sflag:s29], $0x1  }
0xb5: {  	[sflag:s29] =	ssyncadd.s32 $0xFFFFFFFF  }
0xb6: {  	_ =	strace $0x90000048  }
0xb7: {  	_ =	sfence  }
0xb8: {  	s30 =	sld [smem:$0x0];
	_ =	sdelay $0x2  }
0xb9: {  	s31 =	sshll.u32 s1, $0xD;
	s1 =	sshrl.u32 s1, $0x2  }
0xba: {  	s3 =	sand.u32 $0x4000, s31;
	s1 =	sadd.s32 s1, s30  }
0xbb: {  	s0 =	sor.u32 s3, s0;
	s1 =	sshll.u32 s1, $0x11  }
0xbc: {  	s0 =	sor.u32 s1, s0  }
0xbd: {  	s0 =	sadd.s32 $0x8F2B, s0  }
0xbe: {  	[sflag:s0] =	ssyncadd.remote.s32 $0x1  }
0xbf: {  	_ =	sfence.sel $0xFFFF  }
0xc0: {  	[dreg:$0x0] =	wrdreg $0xFFFFFFFF;
	(pc) =	sbr.abs _section_cstart, $3  }
0xc1: {  	[dreg:$0x1] =	wrdreg $0xFFFFFFFF  }
0xc2: {  	_ =	task.clear_ibuf [dreg:s7], $0x2FFFF;
	_ =	strace $0x9FFFFFFF  }
0xc3: {  	(tm) =	ssettm $0x7FFFFFFF  }
tec
execute0_lowered:
.L_overlay_start_1:
0x0: {  	(tag) =	ssettag $0x1  }
0x1: {  	s5 =	rddreg [dreg:$0x0]  }
0x2: {  	s4 =	rddreg [dreg:$0x1]  }
0x3: {  	s1 =	srdreg.scid;
	s0 =	stileid.u32  }
0x4: {  	s2 =	rddreg [dreg:$0x2];
	s3 =	simm.s32 $0x0;
	s11 =	simm.s32 $0x50  }
0x5: {  	s12 =	simm.s32 $0x4000;
	s13 =	simm.s32 $0x80;
	s14 =	simm.s32 $0x100  }
0x6: {  	s6 =	sand.u32 $0x1, s1;
	s7 =	smul.u32 $0x500, s0;
	s1 =	rddreg [dreg:$0x3]  }
0x7: {  	s15 =	simm.s32 $0x0;
	[smem:$0x7FF] =	sst s3;
	s10 =	smul.u32 $0xA00, s0  }
0x8: {  	s30 =	sshll.u32 s0, $0xB;
	s8 =	sshll.u32 s6, $0x7;
	s28 =	ssub.s32 $0x2, s6  }
0x9: {  	_ =	strace $0x80000047;
	s31 =	smul.u32 $0x7E00, s6;
	s5 =	sadd.s32 s5, s30  }
0xa: {  	s7 =	sor.u32 s8, s7;
	s9 =	sshrl.u32 s28, $0x1;
	s29 =	sshrl.u32 s10, $0x2  }
0xb: {  	s10 =	simm.s32 $0x1;
	s7 =	sshrl.u32 s7, $0x3;
	s8 =	ssub.s32 s28, s9  }
0xc: {  	s9 =	simm.s32 $0x4080;
	s7 =	sadd.s32 s7, s4;
	s4 =	sadd.s32 s29, s2  }
0xd: {  	v0 =	vimm.f32 $0.0e+00;
	v1 =	vimm.f32 $1.000000000e+00;
	s6 =	sadd.s32 $0xA00, s7;
	s7 =	smax.u32 s8, $0x1;
	s8 =	sshrl.u32 s31, $0x2  }
.LBB2_1:
0xe: {  	[tilespmem:$0x4080] =	vst v0  }
0xf: {  	[tilespmem:$0x4090] =	vst v0  }
0x10: {  	[tilespmem:$0x40A0] =	vst v0  }
0x11: {  	[tilespmem:$0x40B0] =	vst v0  }
0x12: {  	[tilespmem:$0x40C0] =	vst v0  }
0x13: {  	[tilespmem:$0x40D0] =	vst v0  }
0x14: {  	[tilespmem:$0x40E0] =	vst v0  }
0x15: {  	[tilespmem:$0x40F0] =	vst v0  }
0x16: {  	[tilespmem:$0x4100] =	vst v0  }
0x17: {  	[tilespmem:$0x4110] =	vst v0  }
0x18: {  	[tilespmem:$0x4120] =	vst v0  }
0x19: {  	[tilespmem:$0x4130] =	vst v0  }
0x1a: {  	[tilespmem:$0x4140] =	vst v0  }
0x1b: {  	[tilespmem:$0x4150] =	vst v0  }
0x1c: {  	[tilespmem:$0x4160] =	vst v0  }
0x1d: {  	[tilespmem:$0x4170] =	vst v0  }
0x1e: {  	[tilespmem:$0x4180] =	vst v0  }
0x1f: {  	[tilespmem:$0x4190] =	vst v0  }
0x20: {  	[tilespmem:$0x41A0] =	vst v0  }
0x21: {  	[tilespmem:$0x41B0] =	vst v0  }
0x22: {  	[tilespmem:$0x41C0] =	vst v0  }
0x23: {  	[tilespmem:$0x41D0] =	vst v0  }
0x24: {  	[tilespmem:$0x41E0] =	vst v0  }
0x25: {  	[tilespmem:$0x41F0] =	vst v0  }
0x26: {  	[tilespmem:$0x4200] =	vst v0  }
0x27: {  	[tilespmem:$0x4210] =	vst v0  }
0x28: {  	[tilespmem:$0x4220] =	vst v0  }
0x29: {  	[tilespmem:$0x4230] =	vst v0  }
0x2a: {  	[tilespmem:$0x4240] =	vst v0  }
0x2b: {  	[tilespmem:$0x4250] =	vst v0  }
0x2c: {  	[tilespmem:$0x4260] =	vst v0  }
0x2d: {  	[tilespmem:$0x4270] =	vst v0  }
0x2e: {  	[tilespmem:$0x4280] =	vst v0  }
0x2f: {  	[tilespmem:$0x4290] =	vst v0  }
0x30: {  	[tilespmem:$0x42A0] =	vst v0  }
0x31: {  	[tilespmem:$0x42B0] =	vst v0  }
0x32: {  	[tilespmem:$0x42C0] =	vst v0  }
0x33: {  	[tilespmem:$0x42D0] =	vst v0  }
0x34: {  	[tilespmem:$0x42E0] =	vst v0  }
0x35: {  	[tilespmem:$0x42F0] =	vst v0  }
0x36: {  	[tilespmem:$0x4000] =	vst v1  }
0x37: {  	[tilespmem:$0x4010] =	vst v1  }
0x38: {  	[tilespmem:$0x4020] =	vst v1  }
0x39: {  	[tilespmem:$0x4030] =	vst v1  }
0x3a: {  	[tilespmem:$0x4040] =	vst v1  }
0x3b: {  	[spmem:s4] =	stream.linear.scatter [tilespmem:s9], [sflag:$0x1], $0x280, $0x38;
	[tilespmem:$0x4580] =	vst v63  }
0x3c: {  	_ =	swait.ge [sflag:s10], $0x280  }
0x3d: {  	[sflag:s10] =	ssyncset.done $0x0  }
0x3e: {  	[sflag:s10] =	ssyncadd.s32 $0xFFFFFD80  }
0x3f: {  	[tilespmem:s3], [sflag:$0x1] =	stream.linear.gather [hbm4b:s5+s3], $0x3F00, $0x38;
	[tilespmem:$0x4580] =	vst v63  }
0x40: {  	_ =	swait.ge [sflag:s10], $0x3F00  }
0x41: {  	[sflag:s10] =	ssyncset.done $0x0  }
0x42: {  	[sflag:s10] =	ssyncadd.s32 $0xFFFFC100  }
0x43: {  	s16 =	sadd.s32 $0x0, s8;
	[bflag:$0x0] =	sbarrier.arrive $0xFFFF  }
0x44: {  	[spmem:s2] =	stream.indirect.scatter.add.f32 [tilespmem:s12], [sflag:$0x1], $0x1, s16, s11, $0xb8;
	[tilespmem:$0x4580] =	vst v63  }
0x45: {  	s16 =	simm.s32 $0x200;
	_ =	swait.ge [sflag:s10], $0x50  }
.LBB2_2:
0x46: {  	s17 =	sshra.s32 s16, $0x2;
	[sflag:s10] =	ssyncset.done $0x0;
	p0 =	sne.s32 s16, $0x7C00  }
.Ltmp0:
0x47: {  	s17 =	sadd.s32 s17, s8;
	[sflag:s10] =	ssyncadd.s32 $0xFFFFFFB0;
	(pc) =	sbr.rel @p0 .LBB2_2-.Ltmp0, $3  }
0x48: {  	[spmem:s2] =	stream.indirect.scatter.add.f32 [tilespmem:s12], [sflag:$0x1], $0x1, s17, s11, $0xb8;
	[tilespmem:$0x4580] =	vst v63  }
0x49: {  	s16 =	sadd.s32 $0x200, s16;
	_ =	sdelay $0x1  }
0x4a: {  	_ =	swait.ge [sflag:s10], $0x50  }
0x4b: {  	[sflag:s10] =	ssyncset.done $0x0  }
0x4c: {  	[sflag:s10] =	ssyncadd.s32 $0xFFFFFFB0  }
0x4d: {  	[bflag:$0x0] =	sbarrier.arrive $0xFFFF  }
0x4e: {  	[tilespmem:s9], [sflag:$0x1] =	stream.linear.gather [spmem:s4], $0x280, $0x38;
	[tilespmem:$0x4580] =	vst v63  }
0x4f: {  	s15 =	sadd.s32 $0x1, s15;
	_ =	swait.ge [sflag:s10], $0x280  }
0x50: {  	p0 =	sne.s32 s15, s7;
	[sflag:s10] =	ssyncset.done $0x0  }
.Ltmp1:
0x51: {  	[sflag:s10] =	ssyncadd.s32 $0xFFFFFD80;
	(pc) =	sbr.rel @p0 .LBB2_1-.Ltmp1, $4  }
0x52: {  	[hbm4b:s6+s13] =	stream.strided.scatter [tilespmem:s9], [sflag:$0x1], $0x280, s14, s13, $0x38;
	[tilespmem:$0x4580] =	vst v63  }
0x53: {  	_ =	swait.ge [sflag:s10], $0x280  }
0x54: {  	[sflag:s10] =	ssyncset.done $0x0  }
0x55: {  	[sflag:s10] =	ssyncadd.s32 $0xFFFFFD80  }
0x56: {  	_ =	sfence.sel $0x180000  }
0x57: {  	[bflag:$0x0] =	sbarrier.arrive $0xFFFF  }
0x58: {  	p0 =	sne.s32 s0, $0x0;
	_ =	strace $0x90000047  }
0x59: {  	s0 =	sadd.s32 @!p0 $0x100000, s1;
	[bflag:$0x2] =	sbarrier.arrive $0xFFFF  }
0x5a: {  	[sflag:s0] =	ssyncadd.tile.s32 @!p0 $0x1;
	_ =	shalt  }
.Lfunc_end2:
_tile_overlayer_lowered:
.L_overlay_start_2:
0x5b: {  	(tag) =	ssettag $0x2  }
0x5c: {  	s0 =	rddreg [dreg:$0x0];
	s2 =	stileid.u32  }
0x5d: {  	s1 =	rddreg [dreg:$0x1];
	p0 =	sne.s32 s2, $0x0  }
0x5e: {  	s3 =	rddreg [dreg:$0x2];
	[bflag:$0x3] =	sbarrier.arrive $0xFFFF;
	s2 =	simm.s32 @!p0 $0x1C01  }
0x5f: {  	[timem:s3], [sflag:s2] =	dma.local @!p0 [hbm:s0], s1  }
0x60: {  	s0 =	simm.s32 @!p0 $0x1  }
0x61: {  	_ =	swait.ge @!p0 [sflag:s0], s1  }
0x62: {  	s1 =	ssub.s32 @!p0 $0x0, s1;
	[sflag:s0] =	ssyncset.done @!p0 $0x0  }
0x63: {  	[sflag:s0] =	ssyncadd.s32 @!p0 s1  }
0x64: {  	[bflag:$0x3] =	sbarrier.arrive $0xFFFF  }
0x65: {  	_ =	shalt  }

// kernel: kernel.9.cloned.1.call-start
scs
__scs_entry_jumppad:
0x0: {  	(pc) =	sbr.rel $0x88, $3  }
0x1: {  	(tag) =	ssettag $0x0;
	lr =	simm.s32 $0x1  }
0x2: {  	[smem:$0x3F9E] =	sst lr;
	_ =	strace $0xD0000000  }
0x3: {  	_ = 	snop  }
0x4: {  	_ = 	snop  }
0x5: {  	_ = 	snop  }
0x6: {  	_ = 	snop  }
0x7: {  	_ = 	snop  }
__scs_overlays_trampoline_lowered:
0x8: {  	[smem:$0x3FAD] =	sst s0  }
0x9: {  	[smem:$0x3FAE] =	sst s1  }
0xa: {  	[smem:$0x3FAF] =	sst s2  }
0xb: {  	[smem:$0x3FB0] =	sst s3  }
0xc: {  	[smem:$0x3FB1] =	sst s4  }
0xd: {  	[smem:$0x3FB2] =	sst s5  }
0xe: {  	[smem:$0x3FB3] =	sst s6  }
0xf: {  	[smem:$0x3FB4] =	sst s7  }
0x10: {  	[smem:$0x3FB5] =	sst s8  }
0x11: {  	[smem:$0x3FB6] =	sst s9;
	s0 =	simm.s32 @!p0 $0x0  }
0x12: {  	s1 =	sld [smem:$0x3F9C];
	s0 =	simm.s32 @p0 $0x1  }
0x13: {  	[smem:$0x3FB7] =	sst s0;
	s0 =	simm.s32 @!p1 $0x0  }
0x14: {  	s2 =	sld [smem:$0x3F9B];
	s0 =	simm.s32 @p1 $0x1  }
0x15: {  	[smem:$0x3FB8] =	sst s0;
	s0 =	simm.s32 @!p2 $0x0  }
0x16: {  	s3 =	sld [smem:$0x3FDB];
	s0 =	simm.s32 @p2 $0x1  }
0x17: {  	s4 =	simm.s32 $0x1BF5;
	[smem:$0x3FBA] =	sst s0  }
0x18: {  	s0 =	sld [smem:$0x3F9D];
	_ =	swait.ge [sflag:s4], $0x0  }
0x19: {  	s7 =	sld [smem:$0x3F9E]  }
0x1a: {  	s8 =	sadd.s32 $0xFFFFE003, lr  }
0x1b: {  	s9 =	sadd.s32 $0xFFFFFEF7, lr;
	s5 =	simm.s32 $0xFFFFFFFF;
	p2 =	slt.u32 s8, $0xFFFFF086  }
0x1c: {  	p1 =	slt.u32 s9, $0xF7A;
	s5 =	simm.s32 @!p2 $0x0  }
0x1d: {  	s5 =	simm.s32 @p1 $0x1;
	p0 =	seq.s32 s7, s2  }
0x1e: {  	s7 =	smul.u32 @!p0 $0xF7A, s2;
	p2 =	seq.s32 @!p0 s5, $0x0  }
0x1f: {  	s9 =	smul.u32 $0xF7A, s1;
	s8 =	simm.s32 @!p0 $0x1BF5;
	p2 =	por !p2, p0  }
0x20: {  	[sflag:s8] =	ssyncset.s32 @!p0 $0xFFFFF086;
	s6 =	sadd.s32 @!p0 s3, s7;
	s7 =	simm.s32 @!p0 $0x108  }
0x21: {  	s3 =	sadd.s32 s3, s9;
	s6 =	sadd.s32 @!p0 $0x88, s6;
	s7 =	simm.s32 @p2 $0x1082  }
0x22: {  	[simem:s7], [sflag:s8] =	dma.local @!p0 [hbm:s6], $0xF7A  }
0x23: {  	s9 =	sor.u32 $0xD0000000, s2;
	s6 =	simm.s32 $0x108;
	_ =	swait.ge @!p0 [sflag:s8], $0x0  }
0x24: {  	s3 =	sadd.s32 $0x88, s3;
	s6 =	simm.s32 @!p1 $0x1082;
	[sflag:s4] =	ssyncset.s32 $0xFFFFF086  }
0x25: {  	[simem:s6], [sflag:s4] =	dma.local [hbm:s3], $0xF7A  }
0x26: {  	[smem:$0x3F9E] =	sst s1;
	(tag) =	ssettag s2;
	_ =	strace s9  }
0x27: {  	s1 =	sld [smem:$0x3FAE]  }
0x28: {  	s2 =	sld [smem:$0x3FAF]  }
0x29: {  	s4 =	sld [smem:$0x3FB1]  }
0x2a: {  	p0 =	seq.s32 s5, $0x0;
	s5 =	sld [smem:$0x3FB2]  }
0x2b: {  	s6 =	sld [smem:$0x3FB3]  }
0x2c: {  	s7 =	sld [smem:$0x3FB4]  }
0x2d: {  	s3 =	simm.s32 $0x108;
	s8 =	sld [smem:$0x3FB5]  }
0x2e: {  	s3 =	simm.s32 @!p0 $0x1082;
	s9 =	sld [smem:$0x3FB6]  }
0x2f: {  	lr =	sadd.s32 s0, s3;
	s0 =	sld [smem:$0x3FAD]  }
0x30: {  	s3 =	sld [smem:$0x3FB0]  }
0x31: {  	[smem:$0x3FB9] =	sst s10  }
0x32: {  	s10 =	sld [smem:$0x3FB7];
	_ =	sdelay $0x3  }
0x33: {  	p0 =	seq.s32 s10, $0x1;
	s10 =	sld [smem:$0x3FB9];
	_ =	sdelay $0x3  }
0x34: {  	[smem:$0x3FB9] =	sst s10  }
0x35: {  	s10 =	sld [smem:$0x3FB8];
	_ =	sdelay $0x3  }
0x36: {  	p1 =	seq.s32 s10, $0x1;
	s10 =	sld [smem:$0x3FB9];
	_ =	sdelay $0x3  }
0x37: {  	[smem:$0x3FB9] =	sst s10  }
0x38: {  	s10 =	sld [smem:$0x3FBA]  }
0x39: {  	_ = 	snop;
	(pc) =	sbr.ind lr, $3  }
0x3a: {  	_ = 	snop  }
0x3b: {  	_ = 	snop  }
0x3c: {  	p2 =	seq.s32 s10, $0x1;
	s10 =	sld [smem:$0x3FB9]  }
0x3d: {  	_ =	shalt  }
0x3e: {  	_ =	shalt  }
0x3f: {  	_ =	shalt  }
0x40: {  	_ =	shalt  }
0x41: {  	_ =	shalt  }
0x42: {  	_ =	shalt  }
0x43: {  	_ =	shalt  }
0x44: {  	_ =	shalt  }
0x45: {  	_ =	shalt  }
0x46: {  	_ =	shalt  }
0x47: {  	_ =	shalt  }
0x48: {  	_ =	shalt  }
0x49: {  	_ =	shalt  }
0x4a: {  	_ =	shalt  }
0x4b: {  	_ =	shalt  }
0x4c: {  	_ =	shalt  }
0x4d: {  	_ =	shalt  }
0x4e: {  	_ =	shalt  }
0x4f: {  	_ =	shalt  }
0x50: {  	_ =	shalt  }
0x51: {  	_ =	shalt  }
0x52: {  	_ =	shalt  }
0x53: {  	_ =	shalt  }
0x54: {  	_ =	shalt  }
0x55: {  	_ =	shalt  }
0x56: {  	_ =	shalt  }
0x57: {  	_ =	shalt  }
0x58: {  	_ =	shalt  }
0x59: {  	_ =	shalt  }
0x5a: {  	_ =	shalt  }
0x5b: {  	_ =	shalt  }
0x5c: {  	_ =	shalt  }
0x5d: {  	_ =	shalt  }
0x5e: {  	_ =	shalt  }
0x5f: {  	_ =	shalt  }
0x60: {  	_ =	shalt  }
0x61: {  	_ =	shalt  }
0x62: {  	_ =	shalt  }
0x63: {  	_ =	shalt  }
0x64: {  	_ =	shalt  }
0x65: {  	_ =	shalt  }
0x66: {  	_ =	shalt  }
0x67: {  	_ =	shalt  }
0x68: {  	_ =	shalt  }
0x69: {  	_ =	shalt  }
0x6a: {  	_ =	shalt  }
0x6b: {  	_ =	shalt  }
0x6c: {  	_ =	shalt  }
0x6d: {  	_ =	shalt  }
0x6e: {  	_ =	shalt  }
0x6f: {  	_ =	shalt  }
0x70: {  	_ =	shalt  }
0x71: {  	_ =	shalt  }
0x72: {  	_ =	shalt  }
0x73: {  	_ =	shalt  }
0x74: {  	_ =	shalt  }
0x75: {  	_ =	shalt  }
0x76: {  	_ =	shalt  }
0x77: {  	_ =	shalt  }
0x78: {  	_ =	shalt  }
0x79: {  	_ =	shalt  }
0x7a: {  	_ =	shalt  }
0x7b: {  	_ =	shalt  }
0x7c: {  	_ =	shalt  }
0x7d: {  	_ =	shalt  }
0x7e: {  	_ =	shalt  }
0x7f: {  	_ =	shalt  }
0x80: {  	_ =	shalt  }
0x81: {  	_ =	shalt  }
0x82: {  	_ =	shalt  }
0x83: {  	_ =	shalt  }
0x84: {  	_ =	shalt  }
0x85: {  	_ =	shalt  }
0x86: {  	_ =	shalt  }
0x87: {  	_ =	shalt  }
.Lfunc_end0:
.L_simem_size_0:
called_computation.1_lowered:
.L_overlay_start_0:
0x88: {  	s2 =	sld [smem:$0x3FD9]  }
0x89: {  	s3 =	sld [smem:$0x3FFE];
	_ =	sdelay $0x1  }
0x8a: {  	s1 =	srdreg.scid  }
0x8b: {  	s0 =	sand.u32 $0x1, s1  }
0x8c: {  	s17 =	sshll.u32 s0, $0xA;
	s2 =	sadd.s32 s3, s2  }
0x8d: {  	s2 =	sadd.s32 s2, s17  }
0x8e: {  	[smem:$0x3FC5] =	sst s2  }
0x8f: {  	_ = 	snop  }
0x90: {  	s2 =	sld [smem:$0x3FD0];
	(tm) =	ssettm $0x1  }
0x91: {  	s18 =	sld [smem:$0x3FFB];
	_ =	sdelay $0x3  }
0x92: {  	_ =	strace s18  }
0x93: {  	s3 =	sld [smem:$0x3FFC];
	_ =	sdelay $0x3  }
0x94: {  	_ =	strace s3  }
0x95: {  	s3 =	sld [smem:$0x3FFD];
	_ =	sdelay $0x3  }
0x96: {  	_ =	strace s3  }
0x97: {  	_ =	strace $0x8FFFFFFF  }
0x98: {  	s19 =	sld [smem:$0x3FDB];
	_ =	sdelay $0x1  }
0x99: {  	s4 =	simm.s32 $_scs_section_size  }
0x9a: {  	s5 =	simm.s32 $_size__tile_overlayer_lowered;
	s6 =	simm.s32 $_tile_overlayer_lowered  }
0x9b: {  	s22 =	simm.s32 $0x1BFF;
	s21 =	sshll.u32 s6, $0x1;
	s3 =	sadd.s32 s4, s19  }
0x9c: {  	s7 =	simm.s32 $0x0;
	s20 =	sshll.u32 s5, $0x1;
	s5 =	sadd.s32 s21, s3  }
0x9d: {  	[timem:s7], [sflag:s22] =	dma.local [hbm:s5], s20  }
0x9e: {  	_ =	swait.ge [sflag:s22], s20  }
0x9f: {  	s4 =	ssub.s32 $0x0, s20;
	[sflag:s22] =	ssyncset.done $0x0  }
0xa0: {  	[sflag:s22] =	ssyncadd.s32 s4;
	_ =	sdelay $0x1  }
0xa1: {  	s23 =	simm.s32 $0x1B8B  }
0xa2: {  	_ =	swait.ge [sflag:s23], $0x1  }
0xa3: {  	[sflag:s23] =	ssyncset.done $0x0  }
0xa4: {  	s25 =	simm.s32 $0x1B8E;
	s24 =	sld [smem:$0x3FFE];
	[sflag:s23] =	ssyncadd.s32 $0xFFFFFFFF  }
0xa5: {  	s26 =	simm.s32 $execute0_lowered;
	[smem:$0x3FD2] =	sst s25  }
0xa6: {  	s5 =	sshll.u32 s26, $0x1;
	_ =	strace $0x80000049;
	[dreg:$0x1] =	wrdreg $0xFFFFFFFF  }
0xa7: {  	s28 =	simm.s32 $_size_execute0_lowered;
	s3 =	sadd.s32 s3, s5;
	[dreg:$0x0] =	wrdreg $0x0  }
0xa8: {  	s5 =	sshll.u32 s28, $0x1;
	[dreg:$0x2] =	wrdreg s3  }
0xa9: {  	[dreg:$0x3] =	wrdreg s5  }
0xaa: {  	[dreg:$0x4] =	wrdreg $0xC0  }
0xab: {  	_ =	task [dreg:s7], $0x5FFFF  }
0xac: {  	[dreg:$0x1] =	wrdreg $0xFFFFFFFF  }
0xad: {  	[dreg:$0x0] =	wrdreg $0x60  }
0xae: {  	[dreg:$0x2] =	wrdreg s2  }
0xaf: {  	[dreg:$0x3] =	wrdreg s24  }
0xb0: {  	[dreg:$0x4] =	wrdreg $0xA0000  }
0xb1: {  	[dreg:$0x5] =	wrdreg $0x9  }
0xb2: {  	_ =	task.clear_ibuf [dreg:s7], $0x6FFFF;
	_ =	strace $0x90000049  }
0xb3: {  	s29 =	simm.s32 $0x9;
	_ =	strace $0x8000004B  }
0xb4: {  	_ =	swait.ge [sflag:s29], $0x1  }
0xb5: {  	[sflag:s29] =	ssyncadd.s32 $0xFFFFFFFF  }
0xb6: {  	_ =	strace $0x9000004B  }
0xb7: {  	_ =	sfence  }
0xb8: {  	s30 =	sld [smem:$0x0];
	_ =	sdelay $0x2  }
0xb9: {  	s31 =	sshll.u32 s1, $0xD;
	s1 =	sshrl.u32 s1, $0x2  }
0xba: {  	s3 =	sand.u32 $0x4000, s31;
	s1 =	sadd.s32 s1, s30  }
0xbb: {  	s0 =	sor.u32 s3, s0;
	s1 =	sshll.u32 s1, $0x11  }
0xbc: {  	s0 =	sor.u32 s1, s0  }
0xbd: {  	s0 =	sadd.s32 $0x8F2B, s0  }
0xbe: {  	[sflag:s0] =	ssyncadd.remote.s32 $0x1  }
0xbf: {  	_ =	sfence.sel $0xFFFF  }
0xc0: {  	[dreg:$0x0] =	wrdreg $0xFFFFFFFF;
	(pc) =	sbr.abs _section_cstart, $3  }
0xc1: {  	[dreg:$0x1] =	wrdreg $0xFFFFFFFF  }
0xc2: {  	_ =	task.clear_ibuf [dreg:s7], $0x2FFFF;
	_ =	strace $0x9FFFFFFF  }
0xc3: {  	(tm) =	ssettm $0x7FFFFFFF  }
tec
execute0_lowered:
.L_overlay_start_1:
0x0: {  	(tag) =	ssettag $0x1  }
0x1: {  	s1 =	rddreg [dreg:$0x0]  }
0x2: {  	s0 =	rddreg [dreg:$0x1]  }
0x3: {  	s3 =	rddreg [dreg:$0x2]  }
0x4: {  	s2 =	simm.s32 $0x0;
	s9 =	stileid.u32;
	s4 =	srdreg.scid  }
0x5: {  	s28 =	simm.s32 $0x4400;
	s29 =	simm.s32 $0x4C00;
	s30 =	simm.s32 $0x7800  }
0x6: {  	s31 =	simm.s32 $0x4000;
	[smem:$0x7FF] =	sst s2;
	s6 =	smul.u32 $0x50000, s9  }
0x7: {  	s25 =	sshll.u32 s9, $0xB;
	s4 =	sand.u32 $0x1, s4;
	s13 =	smul.u32 $0x14000, s9  }
0x8: {  	_ =	strace $0x8000004A;
	s2 =	sadd.s32 s25, s0;
	s0 =	sadd.s32 $0x11400, s0  }
0x9: {  	s5 =	ssub.s32 $0x2, s4;
	s8 =	sshll.u32 s4, $0xF;
	s4 =	smul.u32 $0x140000, s4  }
0xa: {  	s7 =	sshrl.u32 s5, $0x1;
	s2 =	sadd.s32 s8, s2;
	s6 =	sshrl.u32 s6, $0x2  }
0xb: {  	s26 =	sor.u32 $0x2800, s13;
	s14 =	sadd.s32 $0x5000, s13;
	s15 =	sadd.s32 $0x7800, s13  }
0xc: {  	s16 =	sadd.s32 $0xA000, s13;
	s19 =	sadd.s32 $0xC800, s13;
	s20 =	sadd.s32 $0xF000, s13  }
0xd: {  	s21 =	sadd.s32 $0x11800, s13;
	s5 =	ssub.s32 s5, s7;
	s2 =	sadd.s32 $0x1400, s2  }
0xe: {  	s6 =	sadd.s32 s6, s3;
	s7 =	sadd.s32 s26, s3;
	s8 =	sadd.s32 s14, s3  }
0xf: {  	s9 =	sadd.s32 s15, s3;
	s10 =	sadd.s32 s16, s3;
	s11 =	sadd.s32 s19, s3  }
0x10: {  	s12 =	sadd.s32 s20, s3;
	s17 =	sadd.s32 s13, s4;
	s13 =	sadd.s32 s21, s3  }
0x11: {  	s14 =	sadd.s32 s4, s14;
	s18 =	sadd.s32 s4, s16;
	s24 =	sadd.s32 s4, s19  }
0x12: {  	s25 =	sadd.s32 s4, s20;
	[dreg:$0x4] =	wrdreg s2;
	s2 =	sadd.s32 s4, s26  }
0x13: {  	s17 =	sshrl.u32 s17, $0x3;
	s23 =	sshrl.u32 s18, $0x3;
	s26 =	sshrl.u32 s25, $0x3  }
0x14: {  	s25 =	simm.s32 $0x1;
	s2 =	sshrl.u32 s2, $0x3;
	s17 =	sadd.s32 s0, s17  }
0x15: {  	s18 =	sadd.s32 s0, s23;
	s20 =	sadd.s32 s0, s26;
	s23 =	simm.s32 $0x5000  }
0x16: {  	s26 =	simm.s32 $0x50;
	[dreg:$0x5] =	wrdreg s17;
	s2 =	sadd.s32 s0, s2  }
0x17: {  	s17 =	sadd.s32 s4, s15;
	s4 =	sadd.s32 s4, s21;
	[dreg:$0x6] =	wrdreg s2  }
0x18: {  	s2 =	sshrl.u32 s14, $0x3;
	s22 =	sshrl.u32 s17, $0x3;
	s4 =	sshrl.u32 s4, $0x3  }
0x19: {  	s2 =	sadd.s32 s0, s2;
	s17 =	sadd.s32 s0, s22;
	s21 =	sadd.s32 s0, s4  }
0x1a: {  	s22 =	smax.u32 s5, $0x1;
	s4 =	simm.s32 $0x4800;
	s5 =	simm.s32 $0x0  }
0x1b: {  	[dreg:$0x7] =	wrdreg s2;
	s2 =	sshrl.u32 s24, $0x3;
	s24 =	simm.s32 $0x3  }
0x1c: {  	v0 =	vimm.f32 $0.0e+00;
	s19 =	sadd.s32 s0, s2;
	s0 =	simm.s32 $0x2;
	s2 =	simm.s32 $0x4  }
.LBB2_1:
0x1d: {  	s14 =	simm.s32 $0x0;
	s15 =	rddreg [dreg:$0x4]  }
0x1e: {  	[tilespmem:s14], [sflag:$0x1] =	stream.linear.gather [hbm4b:s15+s14], $0x3F00, $0x38;
	[tilespmem:$0x1E000] =	vst v63  }
0x1f: {  	s14 =	simm.s32 $0x0;
	s15 =	simm.s32 $0x200  }
.LBB2_2:
0x20: {  	p0 =	sne.s32 s15, $0x9E00;
	[tilespmem:s14+$0x5070] =	vst v0  }
0x21: {  	[tilespmem:s14+$0x5000] =	vst v0  }
0x22: {  	[tilespmem:s14+$0x5010] =	vst v0  }
.Ltmp0:
0x23: {  	[tilespmem:s14+$0x5020] =	vst v0;
	(pc) =	sbr.rel @p0 .LBB2_2-.Ltmp0, $4  }
0x24: {  	[tilespmem:s14+$0x5030] =	vst v0  }
0x25: {  	[tilespmem:s14+$0x5040] =	vst v0  }
0x26: {  	[tilespmem:s14+$0x5050] =	vst v0  }
0x27: {  	[tilespmem:s14+$0x5060] =	vst v0;
	s14 =	sshra.s32 s15, $0x2;
	s15 =	sadd.s32 $0x200, s15  }
0x28: {  	[tilespmem:s14+$0x5070] =	vst v0  }
0x29: {  	[tilespmem:s14+$0x5000] =	vst v0  }
0x2a: {  	[tilespmem:s14+$0x5010] =	vst v0  }
0x2b: {  	[tilespmem:s14+$0x5020] =	vst v0  }
0x2c: {  	[tilespmem:s14+$0x5030] =	vst v0  }
0x2d: {  	[tilespmem:s14+$0x5040] =	vst v0  }
0x2e: {  	[tilespmem:s14+$0x5050] =	vst v0  }
0x2f: {  	[tilespmem:s14+$0x5060] =	vst v0  }
0x30: {  	[spmem:s6] =	stream.linear.scatter [tilespmem:s23], [sflag:$0x3], $0x2800, $0x38;
	[tilespmem:$0x1E000] =	vst v63  }
0x31: {  	_ = 	snop  }
0x32: {  	[spmem:s7] =	stream.linear.scatter [tilespmem:s23], [sflag:$0x3], $0x2800, $0x38;
	[tilespmem:$0x1E000] =	vst v63  }
0x33: {  	_ = 	snop  }
0x34: {  	[spmem:s8] =	stream.linear.scatter [tilespmem:s23], [sflag:$0x3], $0x2800, $0x38;
	[tilespmem:$0x1E000] =	vst v63  }
0x35: {  	_ = 	snop  }
0x36: {  	[spmem:s9] =	stream.linear.scatter [tilespmem:s23], [sflag:$0x3], $0x2800, $0x38;
	[tilespmem:$0x1E000] =	vst v63  }
0x37: {  	_ = 	snop  }
0x38: {  	[spmem:s10] =	stream.linear.scatter [tilespmem:s23], [sflag:$0x3], $0x2800, $0x38;
	[tilespmem:$0x1E000] =	vst v63  }
0x39: {  	_ = 	snop  }
0x3a: {  	[spmem:s11] =	stream.linear.scatter [tilespmem:s23], [sflag:$0x3], $0x2800, $0x38;
	[tilespmem:$0x1E000] =	vst v63  }
0x3b: {  	_ = 	snop  }
0x3c: {  	[spmem:s12] =	stream.linear.scatter [tilespmem:s23], [sflag:$0x3], $0x2800, $0x38;
	[tilespmem:$0x1E000] =	vst v63  }
0x3d: {  	_ = 	snop  }
0x3e: {  	[spmem:s13] =	stream.linear.scatter [tilespmem:s23], [sflag:$0x3], $0x2800, $0x38;
	[tilespmem:$0x1E000] =	vst v63  }
0x3f: {  	_ =	swait.ge [sflag:s24], $0x2800  }
0x40: {  	[sflag:s24] =	ssyncset.done $0x0  }
0x41: {  	[sflag:s24] =	ssyncadd.s32 $0xFFFFD800  }
0x42: {  	_ =	swait.ge [sflag:s24], $0x2800  }
0x43: {  	[sflag:s24] =	ssyncset.done $0x0  }
0x44: {  	[sflag:s24] =	ssyncadd.s32 $0xFFFFD800  }
0x45: {  	_ =	swait.ge [sflag:s24], $0x2800  }
0x46: {  	[sflag:s24] =	ssyncset.done $0x0  }
0x47: {  	[sflag:s24] =	ssyncadd.s32 $0xFFFFD800  }
0x48: {  	_ =	swait.ge [sflag:s24], $0x2800  }
0x49: {  	[sflag:s24] =	ssyncset.done $0x0  }
0x4a: {  	[sflag:s24] =	ssyncadd.s32 $0xFFFFD800  }
0x4b: {  	_ =	swait.ge [sflag:s24], $0x2800  }
0x4c: {  	[sflag:s24] =	ssyncset.done $0x0  }
0x4d: {  	[sflag:s24] =	ssyncadd.s32 $0xFFFFD800  }
0x4e: {  	_ =	swait.ge [sflag:s24], $0x2800  }
0x4f: {  	[sflag:s24] =	ssyncset.done $0x0  }
0x50: {  	[sflag:s24] =	ssyncadd.s32 $0xFFFFD800  }
0x51: {  	_ =	swait.ge [sflag:s24], $0x2800  }
0x52: {  	[sflag:s24] =	ssyncset.done $0x0  }
0x53: {  	[sflag:s24] =	ssyncadd.s32 $0xFFFFD800  }
0x54: {  	_ =	swait.ge [sflag:s24], $0x2800  }
0x55: {  	[sflag:s24] =	ssyncset.done $0x0  }
0x56: {  	[sflag:s24] =	ssyncadd.s32 $0xFFFFD800  }
0x57: {  	_ =	swait.ge [sflag:s25], $0x3F00  }
0x58: {  	[sflag:s25] =	ssyncset.done $0x0  }
0x59: {  	[sflag:s25] =	ssyncadd.s32 $0xFFFFC100  }
0x5a: {  	[bflag:$0x0] =	sbarrier.arrive $0xFFFF  }
0x5b: {  	v1 =	vld [tilespmem:$0x0];
	_ =	sdelay $0x1  }
0x5c: {  	v2 =	vld [tilespmem:$0x10];
	_ =	sdelay $0x1  }
0x5d: {  	v3 =	vld [tilespmem:$0x20]  }
0x5e: {  	v4 =	vshrl.u32 v1, $0xF  }
0x5f: {  	v61 =	vld [tilespmem:$0x30];
	v1 =	vand.u32 $0x7FFF, v1;
	[tilespmem:$0x4000] =	vst v4  }
0x60: {  	[tilespmem:$0x4400] =	vst v1;
	v1 =	vshrl.u32 v2, $0xF  }
0x61: {  	[tilespmem:$0x4010] =	vst v1;
	v1 =	vand.u32 $0x7FFF, v2;
	v2 =	vld [tilespmem:$0x40]  }
0x62: {  	[tilespmem:$0x4410] =	vst v1;
	v1 =	vshrl.u32 v3, $0xF  }
0x63: {  	[tilespmem:$0x4020] =	vst v1;
	v1 =	vand.u32 $0x7FFF, v3  }
0x64: {  	[tilespmem:$0x4420] =	vst v1;
	v1 =	vshrl.u32 v61, $0xF  }
0x65: {  	[tilespmem:$0x4030] =	vst v1;
	v1 =	vand.u32 $0x7FFF, v61  }
0x66: {  	[tilespmem:$0x4430] =	vst v1;
	v1 =	vshrl.u32 v2, $0xF  }
0x67: {  	[tilespmem:$0x4040] =	vst v1;
	v1 =	vand.u32 $0x7FFF, v2  }
0x68: {  	[tilespmem:$0x4440] =	vst v1  }
0x69: {  	[tilespmem:s23], [sflag:$0x1] =	stream.indirect.gather [hbm4b:s1+s26], $0x80, s28, s26, $0xb8;
	[tilespmem:$0x1E000] =	vst v63  }
0x6a: {  	v1 =	vld [tilespmem:$0x80];
	_ =	sdelay $0x1  }
0x6b: {  	v2 =	vld [tilespmem:$0x90];
	_ =	sdelay $0x1  }
0x6c: {  	v3 =	vld [tilespmem:$0xA0]  }
0x6d: {  	v62 =	vshrl.u32 v1, $0xF  }
0x6e: {  	v63 =	vld [tilespmem:$0xB0];
	v1 =	vand.u32 $0x7FFF, v1;
	[tilespmem:$0x4800] =	vst v62  }
0x6f: {  	[tilespmem:$0x4C00] =	vst v1;
	v1 =	vshrl.u32 v2, $0xF  }
0x70: {  	[tilespmem:$0x4810] =	vst v1;
	v1 =	vand.u32 $0x7FFF, v2;
	v2 =	vld [tilespmem:$0xC0]  }
0x71: {  	[tilespmem:$0x4C10] =	vst v1;
	v1 =	vshrl.u32 v3, $0xF  }
0x72: {  	[tilespmem:$0x4820] =	vst v1;
	v1 =	vand.u32 $0x7FFF, v3  }
0x73: {  	[tilespmem:$0x4C20] =	vst v1;
	v1 =	vshrl.u32 v63, $0xF  }
0x74: {  	[tilespmem:$0x4830] =	vst v1;
	v1 =	vand.u32 $0x7FFF, v63  }
0x75: {  	[tilespmem:$0x4C30] =	vst v1;
	v1 =	vshrl.u32 v2, $0xF  }
0x76: {  	[tilespmem:$0x4840] =	vst v1;
	v1 =	vand.u32 $0x7FFF, v2  }
0x77: {  	[tilespmem:$0x4C40] =	vst v1  }
0x78: {  	[tilespmem:s30], [sflag:$0x2] =	stream.indirect.gather [hbm4b:s1+s26], $0x80, s29, s26, $0xb8;
	[tilespmem:$0x1E000] =	vst v63  }
0x79: {  	_ =	swait.ge [sflag:s25], $0x2800  }
0x7a: {  	[sflag:s25] =	ssyncset.done $0x0  }
0x7b: {  	[sflag:s25] =	ssyncadd.s32 $0xFFFFD800  }
0x7c: {  	[spmem:s3] =	stream.indirect.scatter.add.f32 [tilespmem:s23], [sflag:$0x3], $0x80, s31, s26, $0xb8;
	[tilespmem:$0x1E000] =	vst v63  }
0x7d: {  	_ =	swait.ge [sflag:s24], $0x2800  }
0x7e: {  	[sflag:s24] =	ssyncset.done $0x0  }
0x7f: {  	s14 =	simm.s32 $0x1C0;
	[sflag:s24] =	ssyncadd.s32 $0xFFFFD800  }
0x80: {  	v1 =	vld [tilespmem:s14+$0xFFFFFF40];
	_ =	sdelay $0x4  }
0x81: {  	v2 =	vshrl.u32 v1, $0xF  }
0x82: {  	v1 =	vand.u32 $0x7FFF, v1;
	[tilespmem:$0x4000] =	vst v2  }
0x83: {  	[tilespmem:$0x4400] =	vst v1  }
0x84: {  	v1 =	vld [tilespmem:s14+$0xFFFFFF50];
	_ =	sdelay $0x4  }
0x85: {  	v2 =	vshrl.u32 v1, $0xF  }
0x86: {  	v1 =	vand.u32 $0x7FFF, v1;
	[tilespmem:$0x4010] =	vst v2  }
0x87: {  	[tilespmem:$0x4410] =	vst v1  }
0x88: {  	v1 =	vld [tilespmem:s14+$0xFFFFFF60];
	_ =	sdelay $0x4  }
0x89: {  	v2 =	vshrl.u32 v1, $0xF  }
0x8a: {  	v1 =	vand.u32 $0x7FFF, v1;
	[tilespmem:$0x4020] =	vst v2  }
0x8b: {  	[tilespmem:$0x4420] =	vst v1  }
0x8c: {  	v1 =	vld [tilespmem:s14+$0xFFFFFF70];
	_ =	sdelay $0x4  }
0x8d: {  	v2 =	vshrl.u32 v1, $0xF  }
0x8e: {  	v1 =	vand.u32 $0x7FFF, v1;
	[tilespmem:$0x4030] =	vst v2  }
0x8f: {  	[tilespmem:$0x4430] =	vst v1  }
0x90: {  	v1 =	vld [tilespmem:s14+$0xFFFFFF80];
	_ =	sdelay $0x4  }
0x91: {  	v2 =	vshrl.u32 v1, $0xF  }
0x92: {  	v1 =	vand.u32 $0x7FFF, v1;
	[tilespmem:$0x4040] =	vst v2  }
0x93: {  	[tilespmem:$0x4440] =	vst v1  }
0x94: {  	[tilespmem:s23], [sflag:$0x1] =	stream.indirect.gather [hbm4b:s1+s26], $0x80, s28, s26, $0xb8;
	[tilespmem:$0x1E000] =	vst v63  }
0x95: {  	_ =	swait.ge [sflag:s0], $0x2800  }
0x96: {  	[sflag:s0] =	ssyncset.done $0x0  }
0x97: {  	[sflag:s0] =	ssyncadd.s32 $0xFFFFD800  }
0x98: {  	[spmem:s3] =	stream.indirect.scatter.add.f32 [tilespmem:s30], [sflag:$0x4], $0x80, s4, s26, $0xb8;
	[tilespmem:$0x1E000] =	vst v63  }
0x99: {  	_ =	swait.ge [sflag:s2], $0x2800  }
0x9a: {  	[sflag:s2] =	ssyncset.done $0x0  }
0x9b: {  	[sflag:s2] =	ssyncadd.s32 $0xFFFFD800  }
0x9c: {  	v1 =	vld [tilespmem:s14+$0xFFFFFFC0];
	_ =	sdelay $0x4  }
0x9d: {  	v2 =	vshrl.u32 v1, $0xF  }
0x9e: {  	v1 =	vand.u32 $0x7FFF, v1;
	[tilespmem:$0x4800] =	vst v2  }
0x9f: {  	[tilespmem:$0x4C00] =	vst v1  }
0xa0: {  	v1 =	vld [tilespmem:s14+$0xFFFFFFD0];
	_ =	sdelay $0x4  }
0xa1: {  	v2 =	vshrl.u32 v1, $0xF  }
0xa2: {  	v1 =	vand.u32 $0x7FFF, v1;
	[tilespmem:$0x4810] =	vst v2  }
0xa3: {  	[tilespmem:$0x4C10] =	vst v1  }
0xa4: {  	v1 =	vld [tilespmem:s14+$0xFFFFFFE0];
	_ =	sdelay $0x4  }
0xa5: {  	v2 =	vshrl.u32 v1, $0xF  }
0xa6: {  	v1 =	vand.u32 $0x7FFF, v1;
	[tilespmem:$0x4820] =	vst v2  }
0xa7: {  	[tilespmem:$0x4C20] =	vst v1  }
0xa8: {  	v1 =	vld [tilespmem:s14+$0xFFFFFFF0];
	_ =	sdelay $0x4  }
0xa9: {  	s15 =	simm.s32 $0xB00;
	v2 =	vshrl.u32 v1, $0xF;
	v1 =	vand.u32 $0x7FFF, v1  }
.LBB2_4:
0xaa: {  	p0 =	sne.s32 s15, $0xFB00;
	[tilespmem:$0x4830] =	vst v2;
	s16 =	smov.u32 s15;
	s15 =	sadd.s32 $0x400, s15  }
0xab: {  	[tilespmem:$0x4C30] =	vst v1  }
0xac: {  	v1 =	vld [tilespmem:s14+$0x0];
	_ =	sdelay $0x4  }
0xad: {  	v2 =	vshrl.u32 v1, $0xF;
	v1 =	vand.u32 $0x7FFF, v1  }
0xae: {  	[tilespmem:$0x4840] =	vst v2  }
0xaf: {  	[tilespmem:$0x4C40] =	vst v1  }
0xb0: {  	[tilespmem:s30], [sflag:$0x2] =	stream.indirect.gather [hbm4b:s1+s26], $0x80, s29, s26, $0xb8;
	[tilespmem:$0x1E000] =	vst v63  }
0xb1: {  	_ =	swait.ge [sflag:s25], $0x2800  }
0xb2: {  	[sflag:s25] =	ssyncset.done $0x0  }
0xb3: {  	[sflag:s25] =	ssyncadd.s32 $0xFFFFD800  }
0xb4: {  	[spmem:s3] =	stream.indirect.scatter.add.f32 [tilespmem:s23], [sflag:$0x3], $0x80, s31, s26, $0xb8;
	[tilespmem:$0x1E000] =	vst v63  }
0xb5: {  	_ =	swait.ge [sflag:s24], $0x2800  }
0xb6: {  	[sflag:s24] =	ssyncset.done $0x0  }
0xb7: {  	s14 =	sshra.s32 s16, $0x2;
	[sflag:s24] =	ssyncadd.s32 $0xFFFFD800  }
0xb8: {  	v1 =	vld [tilespmem:s14+$0xFFFFFF40];
	_ =	sdelay $0x4  }
0xb9: {  	v2 =	vshrl.u32 v1, $0xF;
	v1 =	vand.u32 $0x7FFF, v1  }
0xba: {  	[tilespmem:$0x4000] =	vst v2  }
0xbb: {  	[tilespmem:$0x4400] =	vst v1  }
0xbc: {  	v1 =	vld [tilespmem:s14+$0xFFFFFF50];
	_ =	sdelay $0x4  }
0xbd: {  	v2 =	vshrl.u32 v1, $0xF;
	v1 =	vand.u32 $0x7FFF, v1  }
0xbe: {  	[tilespmem:$0x4010] =	vst v2  }
0xbf: {  	[tilespmem:$0x4410] =	vst v1  }
0xc0: {  	v1 =	vld [tilespmem:s14+$0xFFFFFF60];
	_ =	sdelay $0x4  }
0xc1: {  	v2 =	vshrl.u32 v1, $0xF;
	v1 =	vand.u32 $0x7FFF, v1  }
0xc2: {  	[tilespmem:$0x4020] =	vst v2  }
0xc3: {  	[tilespmem:$0x4420] =	vst v1  }
0xc4: {  	v1 =	vld [tilespmem:s14+$0xFFFFFF70];
	_ =	sdelay $0x4  }
0xc5: {  	v2 =	vshrl.u32 v1, $0xF;
	v1 =	vand.u32 $0x7FFF, v1  }
0xc6: {  	[tilespmem:$0x4030] =	vst v2  }
0xc7: {  	[tilespmem:$0x4430] =	vst v1  }
0xc8: {  	v1 =	vld [tilespmem:s14+$0xFFFFFF80];
	_ =	sdelay $0x4  }
0xc9: {  	v2 =	vshrl.u32 v1, $0xF;
	v1 =	vand.u32 $0x7FFF, v1  }
0xca: {  	[tilespmem:$0x4040] =	vst v2  }
0xcb: {  	[tilespmem:$0x4440] =	vst v1  }
0xcc: {  	[tilespmem:s23], [sflag:$0x1] =	stream.indirect.gather [hbm4b:s1+s26], $0x80, s28, s26, $0xb8;
	[tilespmem:$0x1E000] =	vst v63  }
0xcd: {  	_ =	swait.ge [sflag:s0], $0x2800  }
0xce: {  	[sflag:s0] =	ssyncset.done $0x0  }
0xcf: {  	[sflag:s0] =	ssyncadd.s32 $0xFFFFD800  }
0xd0: {  	[spmem:s3] =	stream.indirect.scatter.add.f32 [tilespmem:s30], [sflag:$0x4], $0x80, s4, s26, $0xb8;
	[tilespmem:$0x1E000] =	vst v63  }
0xd1: {  	_ =	swait.ge [sflag:s2], $0x2800  }
0xd2: {  	[sflag:s2] =	ssyncset.done $0x0  }
0xd3: {  	[sflag:s2] =	ssyncadd.s32 $0xFFFFD800  }
0xd4: {  	v1 =	vld [tilespmem:s14+$0xFFFFFFC0];
	_ =	sdelay $0x4  }
0xd5: {  	v2 =	vshrl.u32 v1, $0xF;
	v1 =	vand.u32 $0x7FFF, v1  }
0xd6: {  	[tilespmem:$0x4800] =	vst v2  }
0xd7: {  	[tilespmem:$0x4C00] =	vst v1  }
0xd8: {  	v1 =	vld [tilespmem:s14+$0xFFFFFFD0];
	_ =	sdelay $0x4  }
0xd9: {  	v2 =	vshrl.u32 v1, $0xF;
	v1 =	vand.u32 $0x7FFF, v1  }
0xda: {  	[tilespmem:$0x4810] =	vst v2  }
0xdb: {  	[tilespmem:$0x4C10] =	vst v1  }
0xdc: {  	v1 =	vld [tilespmem:s14+$0xFFFFFFE0];
	_ =	sdelay $0x4  }
0xdd: {  	v2 =	vshrl.u32 v1, $0xF;
	v1 =	vand.u32 $0x7FFF, v1  }
0xde: {  	[tilespmem:$0x4820] =	vst v2  }
0xdf: {  	[tilespmem:$0x4C20] =	vst v1  }
0xe0: {  	v1 =	vld [tilespmem:s14+$0xFFFFFFF0]  }
.Ltmp1:
0xe1: {  	(pc) =	sbr.rel @p0 .LBB2_4-.Ltmp1, $2  }
0xe2: {  	_ =	sdelay $0x2  }
0xe3: {  	v2 =	vshrl.u32 v1, $0xF;
	v1 =	vand.u32 $0x7FFF, v1  }
0xe4: {  	[tilespmem:$0x4830] =	vst v2  }
0xe5: {  	[tilespmem:$0x4C30] =	vst v1  }
0xe6: {  	v1 =	vld [tilespmem:s14+$0x0];
	_ =	sdelay $0x4  }
0xe7: {  	v2 =	vshrl.u32 v1, $0xF  }
0xe8: {  	v1 =	vand.u32 $0x7FFF, v1;
	[tilespmem:$0x4840] =	vst v2  }
0xe9: {  	[tilespmem:$0x4C40] =	vst v1  }
0xea: {  	[tilespmem:s30], [sflag:$0x2] =	stream.indirect.gather [hbm4b:s1+s26], $0x80, s29, s26, $0xb8;
	[tilespmem:$0x1E000] =	vst v63  }
0xeb: {  	_ =	swait.ge [sflag:s25], $0x2800  }
0xec: {  	[sflag:s25] =	ssyncset.done $0x0  }
0xed: {  	[sflag:s25] =	ssyncadd.s32 $0xFFFFD800  }
0xee: {  	[spmem:s3] =	stream.indirect.scatter.add.f32 [tilespmem:s23], [sflag:$0x3], $0x80, s31, s26, $0xb8;
	[tilespmem:$0x1E000] =	vst v63  }
0xef: {  	_ =	swait.ge [sflag:s24], $0x2800  }
0xf0: {  	[sflag:s24] =	ssyncset.done $0x0  }
0xf1: {  	[sflag:s24] =	ssyncadd.s32 $0xFFFFD800  }
0xf2: {  	_ =	swait.ge [sflag:s0], $0x2800  }
0xf3: {  	[sflag:s0] =	ssyncset.done $0x0  }
0xf4: {  	[sflag:s0] =	ssyncadd.s32 $0xFFFFD800  }
0xf5: {  	[spmem:s3] =	stream.indirect.scatter.add.f32 [tilespmem:s30], [sflag:$0x4], $0x80, s4, s26, $0xb8;
	[tilespmem:$0x1E000] =	vst v63  }
0xf6: {  	_ =	swait.ge [sflag:s2], $0x2800  }
0xf7: {  	[sflag:s2] =	ssyncset.done $0x0  }
0xf8: {  	s15 =	stileid.u32;
	[sflag:s2] =	ssyncadd.s32 $0xFFFFD800  }
0xf9: {  	s14 =	sshll.u32 s15, $0x6;
	[bflag:$0x0] =	sbarrier.arrive $0xFFFF  }
0xfa: {  	s15 =	sshrl.u32 s6, $0x3;
	s14 =	sor.u32 $0x1C01, s14;
	s16 =	rddreg [dreg:$0x5]  }
0xfb: {  	[hbm:s16], [sflag:s14] =	dma.local [spmem:s15], $0x500  }
0xfc: {  	s15 =	sshrl.u32 s7, $0x3;
	s16 =	rddreg [dreg:$0x6]  }
0xfd: {  	[hbm:s16], [sflag:s14] =	dma.local [spmem:s15], $0x500  }
0xfe: {  	s15 =	sshrl.u32 s8, $0x3;
	s16 =	rddreg [dreg:$0x7]  }
0xff: {  	[hbm:s16], [sflag:s14] =	dma.local [spmem:s15], $0x500  }
0x100: {  	s16 =	sshrl.u32 s9, $0x3  }
0x101: {  	[hbm:s17], [sflag:s14] =	dma.local [spmem:s16], $0x500  }
0x102: {  	s16 =	sshrl.u32 s10, $0x3  }
0x103: {  	[hbm:s18], [sflag:s14] =	dma.local [spmem:s16], $0x500  }
0x104: {  	s16 =	sshrl.u32 s11, $0x3  }
0x105: {  	[hbm:s19], [sflag:s14] =	dma.local [spmem:s16], $0x500  }
0x106: {  	s16 =	sshrl.u32 s12, $0x3  }
0x107: {  	[hbm:s20], [sflag:s14] =	dma.local [spmem:s16], $0x500  }
0x108: {  	s16 =	sshrl.u32 s13, $0x3  }
0x109: {  	[hbm:s21], [sflag:s14] =	dma.local [spmem:s16], $0x500  }
0x10a: {  	_ =	swait.ge [sflag:s25], $0x500  }
0x10b: {  	[sflag:s25] =	ssyncset.done $0x0  }
0x10c: {  	[sflag:s25] =	ssyncadd.s32 $0xFFFFFB00  }
0x10d: {  	_ =	swait.ge [sflag:s25], $0x500  }
0x10e: {  	[sflag:s25] =	ssyncset.done $0x0  }
0x10f: {  	[sflag:s25] =	ssyncadd.s32 $0xFFFFFB00  }
0x110: {  	_ =	swait.ge [sflag:s25], $0x500  }
0x111: {  	[sflag:s25] =	ssyncset.done $0x0  }
0x112: {  	[sflag:s25] =	ssyncadd.s32 $0xFFFFFB00  }
0x113: {  	_ =	swait.ge [sflag:s25], $0x500  }
0x114: {  	[sflag:s25] =	ssyncset.done $0x0  }
0x115: {  	[sflag:s25] =	ssyncadd.s32 $0xFFFFFB00  }
0x116: {  	_ =	swait.ge [sflag:s25], $0x500  }
0x117: {  	[sflag:s25] =	ssyncset.done $0x0  }
0x118: {  	[sflag:s25] =	ssyncadd.s32 $0xFFFFFB00  }
0x119: {  	_ =	swait.ge [sflag:s25], $0x500  }
0x11a: {  	[sflag:s25] =	ssyncset.done $0x0  }
0x11b: {  	s5 =	sadd.s32 $0x1, s5;
	[sflag:s25] =	ssyncadd.s32 $0xFFFFFB00  }
0x11c: {  	p0 =	sne.s32 s5, s22;
	_ =	swait.ge [sflag:s25], $0x500  }
.Ltmp2:
0x11d: {  	[sflag:s25] =	ssyncset.done $0x0;
	(pc) =	sbr.rel @p0 .LBB2_1-.Ltmp2, $4  }
0x11e: {  	[sflag:s25] =	ssyncadd.s32 $0xFFFFFB00  }
0x11f: {  	_ =	swait.ge [sflag:s25], $0x500  }
0x120: {  	[sflag:s25] =	ssyncset.done $0x0  }
0x121: {  	[sflag:s25] =	ssyncadd.s32 $0xFFFFFB00  }
0x122: {  	_ =	sfence.sel $0x180000  }
0x123: {  	[bflag:$0x0] =	sbarrier.arrive $0xFFFF  }
0x124: {  	_ =	strace $0x9000004A  }
0x125: {  	s0 =	stileid.u32;
	[bflag:$0x2] =	sbarrier.arrive $0xFFFF  }
0x126: {  	p0 =	sne.s32 s0, $0x0;
	s0 =	rddreg [dreg:$0x3]  }
0x127: {  	s0 =	sadd.s32 @!p0 $0x100000, s0  }
0x128: {  	[sflag:s0] =	ssyncadd.tile.s32 @!p0 $0x1;
	_ =	shalt  }
.Lfunc_end2:
_tile_overlayer_lowered:
.L_overlay_start_2:
0x129: {  	(tag) =	ssettag $0x2  }
0x12a: {  	s0 =	rddreg [dreg:$0x0];
	s2 =	stileid.u32  }
0x12b: {  	s1 =	rddreg [dreg:$0x1];
	p0 =	sne.s32 s2, $0x0  }
0x12c: {  	s3 =	rddreg [dreg:$0x2];
	[bflag:$0x3] =	sbarrier.arrive $0xFFFF;
	s2 =	simm.s32 @!p0 $0x1C05  }
0x12d: {  	[timem:s3], [sflag:s2] =	dma.local @!p0 [hbm:s0], s1  }
0x12e: {  	s0 =	simm.s32 @!p0 $0x5  }
0x12f: {  	_ =	swait.ge @!p0 [sflag:s0], s1  }
0x130: {  	s1 =	ssub.s32 @!p0 $0x0, s1;
	[sflag:s0] =	ssyncset.done @!p0 $0x0  }
0x131: {  	[sflag:s0] =	ssyncadd.s32 @!p0 s1  }
0x132: {  	[bflag:$0x3] =	sbarrier.arrive $0xFFFF  }
0x133: {  	_ =	shalt  }

</sc_bundles>
